<compile_context>
chip_gen: v7x
topology: tpu7x:2x2x1
jax: 0.10.2.dev20260603
libtpu: 0.0.44.dev20260713+nightly
codegen_flags: <defaults>
</compile_context>

<pallas_src>
import jax
import jax.numpy as jnp
from jax.experimental import pallas as pl
from jax.experimental.pallas import tpu as pltpu

_BB = 128
_NS = 4
_AHEAD = 2


def _body(rows_ref, cnt_ref, ppr_hbm, x_ref, w_ref, b_ref, uidx_ref,
          out_ref, enc, buf, sems):
    i = pl.program_id(0)
    nsteps = pl.num_programs(0)
    slot = jax.lax.rem(i, _NS)
    nbytes_row = buf.shape[2] * 4

    def _issue(step, s):
        cnt = cnt_ref[step]

        def one(k, carry):
            @pl.when(k < cnt)
            def _():
                r = rows_ref[step * _BB + k]
                pltpu.make_async_copy(
                    ppr_hbm.at[r], buf.at[s, k], sems.at[s]
                ).start()
            return carry

        jax.lax.fori_loop(0, _BB, one, 0, unroll=16)

    @pl.when(i == 0)
    def _():
        for s in range(_AHEAD + 1):
            _issue(s, s)
        enc[...] = (
            jnp.dot(x_ref[...], w_ref[...], preferred_element_type=jnp.float32)
            + b_ref[...]
        ).astype(jnp.bfloat16)

    @pl.when(jnp.logical_and(i > 0, i + _AHEAD < nsteps))
    def _():
        _issue(i + _AHEAD, jax.lax.rem(i + _AHEAD, _NS))

    def _waitone(k, carry):
        @pl.when(k < cnt_ref[i])
        def _():
            pltpu.make_async_copy(
                ppr_hbm.at[0], buf.at[slot, k], sems.at[slot]
            ).wait()
        return carry

    jax.lax.fori_loop(0, _BB, _waitone, 0, unroll=16)

    out_u = jnp.dot(
        buf[slot].astype(jnp.bfloat16),
        enc[...],
        preferred_element_type=jnp.float32,
    )
    out_u = jnp.where(jnp.isfinite(out_u), out_u, 0.0)
    iota0 = jax.lax.broadcasted_iota(jnp.int32, (_BB, _BB), 0)
    pt = (uidx_ref[0] == iota0).astype(jnp.float32)
    out_ref[...] = jax.lax.dot_general(
        pt, out_u, (((0,), (0,)), ((), ())),
        preferred_element_type=jnp.float32,
    )


def kernel(X, idx, ppr, W, b):
    n, d = X.shape
    dout = W.shape[1]
    bsz = idx.shape[0]
    nsteps = bsz // _BB

    idx32 = idx.astype(jnp.int32)
    perm = jnp.argsort(idx32)
    sid = idx32[perm]
    j = jnp.arange(bsz, dtype=jnp.int32)
    new = (sid != jnp.roll(sid, 1)) | (j % _BB == 0)
    uidx = jnp.cumsum(new.reshape(nsteps, _BB), axis=1).astype(jnp.int32) - 1
    cnt = (uidx[:, -1] + 1).astype(jnp.int32)
    rows = jnp.zeros((nsteps, _BB), jnp.int32)
    rows = rows.at[j // _BB, uidx.reshape(-1)].set(sid)

    out_sorted = pl.pallas_call(
        _body,
        grid_spec=pltpu.PrefetchScalarGridSpec(
            num_scalar_prefetch=2,
            grid=(nsteps,),
            in_specs=[
                pl.BlockSpec(memory_space=pltpu.HBM),
                pl.BlockSpec((n, d), lambda i, *_: (0, 0)),
                pl.BlockSpec((d, dout), lambda i, *_: (0, 0)),
                pl.BlockSpec((1, dout), lambda i, *_: (0, 0)),
                pl.BlockSpec((1, 1, _BB), lambda i, *_: (i, 0, 0)),
            ],
            out_specs=pl.BlockSpec((_BB, dout), lambda i, *_: (i, 0)),
            scratch_shapes=[
                pltpu.VMEM((n, dout), jnp.bfloat16),
                pltpu.VMEM((_NS, _BB, n), jnp.float32),
                pltpu.SemaphoreType.DMA((_NS,)),
            ],
        ),
        out_shape=jax.ShapeDtypeStruct((bsz, dout), jnp.float32),
    )(rows.reshape(-1), cnt, ppr, X, W, b.reshape(1, dout),
      uidx.reshape(nsteps, 1, _BB))
    out = jnp.zeros((bsz, dout), jnp.float32).at[perm].set(out_sorted)
    return out

# --- scband reference (transcript-rebuilt; emitter-appended) ---
"""Pipeline reference for scband-ppr-34918084116721 (READ-ONLY COPY).

The authoritative reference and input builder live on the scoring server;
editing this copy changes nothing except your own understanding.
"""

import jax, jax.numpy as jnp
import numpy as np

N = 10000
D = 128
B = 4096
DOUT = 128


def setup_inputs(seed: int = 0) -> dict:
    key = jax.random.key(seed)
    k1, k2, k3, k4 = jax.random.split(key, 4)
    # dense personalized-pagerank matrix (row-stochastic-ish, mostly small values)
    ppr = jax.random.uniform(k1, (N, N), dtype=jnp.float32) / N
    X = jax.random.normal(k2, (N, D), dtype=jnp.float32)
    idx = jax.random.randint(k3, (B,), 0, N, dtype=jnp.int64)
    # encoder materialized as a single linear layer (weight + bias)
    W = jax.random.normal(k4, (D, DOUT), dtype=jnp.float32) * 0.02
    b = jnp.zeros((DOUT,), dtype=jnp.float32)
    return {"X": X, "idx": idx, "ppr": ppr, "W": W, "b": b}


def reference(X, idx, ppr, W, b):
    # dense, non-batch path of PPR.forward:
    #   return self.ppr[idx] @ encoder(X)
    enc = X @ W + b                      # encoder(X): [N, DOUT]
    rows = jnp.take(ppr, idx, axis=0)    # gather PPR rows: [B, N]
    return rows @ enc                    # weighted aggregation: [B, DOUT]

if __name__ == "__main__":
    import jax
    _d = setup_inputs()
    print(jax.jit(kernel)(*tuple(_d.values())))

</pallas_src>

<mosaic_0001>
module attributes {stable_mosaic.version = 14 : i64} {
  func.func @_body(%arg0: i32, %arg1: memref<4096xi32, #tpu.memory_space<smem>>, %arg2: memref<32xi32, #tpu.memory_space<smem>>, %arg3: memref<10000x10000xf32, #tpu.memory_space<hbm>>, %arg4: memref<10000x128xf32, #tpu.memory_space<vmem>>, %arg5: memref<128x128xf32, #tpu.memory_space<vmem>>, %arg6: memref<1x128xf32, #tpu.memory_space<vmem>>, %arg7: memref<1x1x128xi32, #tpu.memory_space<vmem>>, %arg8: memref<128x128xf32, #tpu.memory_space<vmem>>, %arg9: memref<10000x128xbf16, #tpu.memory_space<vmem>>, %arg10: memref<4x128x10000xf32, #tpu.memory_space<vmem>>, %arg11: memref<4x!tpu.dma_semaphore, #tpu.memory_space<semaphore_mem>>) attributes {dimension_semantics = [#tpu.dimension_semantics<arbitrary>], iteration_bounds = array<i64: 32>, scalar_prefetch = 2 : i64, scratch_operands = 3 : i64, tpu.core_type = #tpu.core_type<tc>, window_params = [{}, {pipeline_mode = #tpu.pipeline_mode<synchronous>, transform_indices = @transform_1, window_bounds = array<i64: 10000, 128>}, {pipeline_mode = #tpu.pipeline_mode<synchronous>, transform_indices = @transform_2, window_bounds = array<i64: 128, 128>}, {pipeline_mode = #tpu.pipeline_mode<synchronous>, transform_indices = @transform_3, window_bounds = array<i64: 1, 128>}, {transform_indices = @transform_4, window_bounds = array<i64: 1, 1, 128>}, {transform_indices = @transform_5, window_bounds = array<i64: 128, 128>}]} {
    %rem3A = arith.constant 4 : i32
    %rem3A_0 = arith.remsi %arg0, %rem3A : i32
    %eq3A = arith.constant 0 : i32
    %eq3A_1 = arith.cmpi eq, %arg0, %eq3A : i32
    %convert_element_type3A = arith.extui %eq3A_1 : i1 to i32
    %cond3A = arith.constant 0 : i32
    %cond3A_2 = arith.cmpi ne, %convert_element_type3A, %cond3A : i32
    scf.if %cond3A_2 {
      %get3A_37 = arith.constant 0 : index
      %get3A_38 = memref.load %arg2[%get3A_37] : memref<32xi32, #tpu.memory_space<smem>>
      %scan3A_39 = arith.constant 0 : i32
      %scan3A_40 = arith.constant 128 : i32
      %scan3A_41 = arith.addi %scan3A_39, %scan3A_40 : i32
      %scan3A_42 = arith.constant 16 : i32
      scf.for %scan3A_75 = %scan3A_39 to %scan3A_41 step %scan3A_42  : i32 {
        %lt3A_76 = arith.cmpi slt, %scan3A_75, %get3A_38 : i32
        %convert_element_type3A_77 = arith.extui %lt3A_76 : i1 to i32
        %cond3A_78 = arith.constant 0 : i32
        %cond3A_79 = arith.cmpi ne, %convert_element_type3A_77, %cond3A_78 : i32
        scf.if %cond3A_79 {
          %add3A_170 = arith.constant 0 : i32
          %add3A_171 = arith.addi %add3A_170, %scan3A_75 : i32
          %get3A_172 = arith.index_cast %add3A_171 : i32 to index
          %get3A_173 = memref.load %arg1[%get3A_172] : memref<4096xi32, #tpu.memory_space<smem>>
          %dma_start3A = arith.constant 0 : i32
          %dma_start3A_174 = arith.constant 0 : i32
          %dma_start3A_175 = tpu.memref_slice %arg11[%dma_start3A_174] : memref<4x!tpu.dma_semaphore, #tpu.memory_space<semaphore_mem>> -> memref<1x!tpu.dma_semaphore, #tpu.memory_space<semaphore_mem>>
          %dma_start3A_176 = tpu.memref_squeeze %dma_start3A_175 : memref<1x!tpu.dma_semaphore, #tpu.memory_space<semaphore_mem>> -> memref<!tpu.dma_semaphore, #tpu.memory_space<semaphore_mem>>
          %dma_start3A_177 = arith.constant 0 : i32
          %dma_start3A_178 = tpu.memref_slice %arg10[%dma_start3A, %scan3A_75, %dma_start3A_177] : memref<4x128x10000xf32, #tpu.memory_space<vmem>> -> memref<1x1x10000xf32, #tpu.memory_space<vmem>>
          %dma_start3A_179 = tpu.memref_squeeze %dma_start3A_178 : memref<1x1x10000xf32, #tpu.memory_space<vmem>> -> memref<10000xf32, #tpu.memory_space<vmem>>
          %dma_start3A_180 = arith.constant 0 : i32
          %dma_start3A_181 = tpu.memref_slice %arg3[%get3A_173, %dma_start3A_180] : memref<10000x10000xf32, #tpu.memory_space<hbm>> -> memref<1x10000xf32, #tpu.memory_space<hbm>>
          %dma_start3A_182 = tpu.memref_squeeze %dma_start3A_181 : memref<1x10000xf32, #tpu.memory_space<hbm>> -> memref<10000xf32, #tpu.memory_space<hbm>>
          tpu.enqueue_dma source(%dma_start3A_182 : memref<10000xf32, #tpu.memory_space<hbm>>) target(%dma_start3A_179 : memref<10000xf32, #tpu.memory_space<vmem>>) target_semaphore(%dma_start3A_176 : memref<!tpu.dma_semaphore, #tpu.memory_space<semaphore_mem>>)
        } else {
        }
        %scan3A_80 = arith.constant 1 : i32
        %scan3A_81 = arith.addi %scan3A_75, %scan3A_80 : i32
        %lt3A_82 = arith.cmpi slt, %scan3A_81, %get3A_38 : i32
        %convert_element_type3A_83 = arith.extui %lt3A_82 : i1 to i32
        %cond3A_84 = arith.constant 0 : i32
        %cond3A_85 = arith.cmpi ne, %convert_element_type3A_83, %cond3A_84 : i32
        scf.if %cond3A_85 {
          %add3A_170 = arith.constant 0 : i32
          %add3A_171 = arith.addi %add3A_170, %scan3A_81 : i32
          %get3A_172 = arith.index_cast %add3A_171 : i32 to index
          %get3A_173 = memref.load %arg1[%get3A_172] : memref<4096xi32, #tpu.memory_space<smem>>
          %dma_start3A = arith.constant 0 : i32
          %dma_start3A_174 = arith.constant 0 : i32
          %dma_start3A_175 = tpu.memref_slice %arg11[%dma_start3A_174] : memref<4x!tpu.dma_semaphore, #tpu.memory_space<semaphore_mem>> -> memref<1x!tpu.dma_semaphore, #tpu.memory_space<semaphore_mem>>
          %dma_start3A_176 = tpu.memref_squeeze %dma_start3A_175 : memref<1x!tpu.dma_semaphore, #tpu.memory_space<semaphore_mem>> -> memref<!tpu.dma_semaphore, #tpu.memory_space<semaphore_mem>>
          %dma_start3A_177 = arith.constant 0 : i32
          %dma_start3A_178 = tpu.memref_slice %arg10[%dma_start3A, %scan3A_81, %dma_start3A_177] : memref<4x128x10000xf32, #tpu.memory_space<vmem>> -> memref<1x1x10000xf32, #tpu.memory_space<vmem>>
          %dma_start3A_179 = tpu.memref_squeeze %dma_start3A_178 : memref<1x1x10000xf32, #tpu.memory_space<vmem>> -> memref<10000xf32, #tpu.memory_space<vmem>>
          %dma_start3A_180 = arith.constant 0 : i32
          %dma_start3A_181 = tpu.memref_slice %arg3[%get3A_173, %dma_start3A_180] : memref<10000x10000xf32, #tpu.memory_space<hbm>> -> memref<1x10000xf32, #tpu.memory_space<hbm>>
          %dma_start3A_182 = tpu.memref_squeeze %dma_start3A_181 : memref<1x10000xf32, #tpu.memory_space<hbm>> -> memref<10000xf32, #tpu.memory_space<hbm>>
          tpu.enqueue_dma source(%dma_start3A_182 : memref<10000xf32, #tpu.memory_space<hbm>>) target(%dma_start3A_179 : memref<10000xf32, #tpu.memory_space<vmem>>) target_semaphore(%dma_start3A_176 : memref<!tpu.dma_semaphore, #tpu.memory_space<semaphore_mem>>)
        } else {
        }
        %scan3A_86 = arith.constant 2 : i32
        %scan3A_87 = arith.addi %scan3A_75, %scan3A_86 : i32
        %lt3A_88 = arith.cmpi slt, %scan3A_87, %get3A_38 : i32
        %convert_element_type3A_89 = arith.extui %lt3A_88 : i1 to i32
        %cond3A_90 = arith.constant 0 : i32
        %cond3A_91 = arith.cmpi ne, %convert_element_type3A_89, %cond3A_90 : i32
        scf.if %cond3A_91 {
          %add3A_170 = arith.constant 0 : i32
          %add3A_171 = arith.addi %add3A_170, %scan3A_87 : i32
          %get3A_172 = arith.index_cast %add3A_171 : i32 to index
          %get3A_173 = memref.load %arg1[%get3A_172] : memref<4096xi32, #tpu.memory_space<smem>>
          %dma_start3A = arith.constant 0 : i32
          %dma_start3A_174 = arith.constant 0 : i32
          %dma_start3A_175 = tpu.memref_slice %arg11[%dma_start3A_174] : memref<4x!tpu.dma_semaphore, #tpu.memory_space<semaphore_mem>> -> memref<1x!tpu.dma_semaphore, #tpu.memory_space<semaphore_mem>>
          %dma_start3A_176 = tpu.memref_squeeze %dma_start3A_175 : memref<1x!tpu.dma_semaphore, #tpu.memory_space<semaphore_mem>> -> memref<!tpu.dma_semaphore, #tpu.memory_space<semaphore_mem>>
          %dma_start3A_177 = arith.constant 0 : i32
          %dma_start3A_178 = tpu.memref_slice %arg10[%dma_start3A, %scan3A_87, %dma_start3A_177] : memref<4x128x10000xf32, #tpu.memory_space<vmem>> -> memref<1x1x10000xf32, #tpu.memory_space<vmem>>
          %dma_start3A_179 = tpu.memref_squeeze %dma_start3A_178 : memref<1x1x10000xf32, #tpu.memory_space<vmem>> -> memref<10000xf32, #tpu.memory_space<vmem>>
          %dma_start3A_180 = arith.constant 0 : i32
          %dma_start3A_181 = tpu.memref_slice %arg3[%get3A_173, %dma_start3A_180] : memref<10000x10000xf32, #tpu.memory_space<hbm>> -> memref<1x10000xf32, #tpu.memory_space<hbm>>
          %dma_start3A_182 = tpu.memref_squeeze %dma_start3A_181 : memref<1x10000xf32, #tpu.memory_space<hbm>> -> memref<10000xf32, #tpu.memory_space<hbm>>
          tpu.enqueue_dma source(%dma_start3A_182 : memref<10000xf32, #tpu.memory_space<hbm>>) target(%dma_start3A_179 : memref<10000xf32, #tpu.memory_space<vmem>>) target_semaphore(%dma_start3A_176 : memref<!tpu.dma_semaphore, #tpu.memory_space<semaphore_mem>>)
        } else {
        }
        %scan3A_92 = arith.constant 3 : i32
        %scan3A_93 = arith.addi %scan3A_75, %scan3A_92 : i32
        %lt3A_94 = arith.cmpi slt, %scan3A_93, %get3A_38 : i32
        %convert_element_type3A_95 = arith.extui %lt3A_94 : i1 to i32
        %cond3A_96 = arith.constant 0 : i32
        %cond3A_97 = arith.cmpi ne, %convert_element_type3A_95, %cond3A_96 : i32
        scf.if %cond3A_97 {
          %add3A_170 = arith.constant 0 : i32
          %add3A_171 = arith.addi %add3A_170, %scan3A_93 : i32
          %get3A_172 = arith.index_cast %add3A_171 : i32 to index
          %get3A_173 = memref.load %arg1[%get3A_172] : memref<4096xi32, #tpu.memory_space<smem>>
          %dma_start3A = arith.constant 0 : i32
          %dma_start3A_174 = arith.constant 0 : i32
          %dma_start3A_175 = tpu.memref_slice %arg11[%dma_start3A_174] : memref<4x!tpu.dma_semaphore, #tpu.memory_space<semaphore_mem>> -> memref<1x!tpu.dma_semaphore, #tpu.memory_space<semaphore_mem>>
          %dma_start3A_176 = tpu.memref_squeeze %dma_start3A_175 : memref<1x!tpu.dma_semaphore, #tpu.memory_space<semaphore_mem>> -> memref<!tpu.dma_semaphore, #tpu.memory_space<semaphore_mem>>
          %dma_start3A_177 = arith.constant 0 : i32
          %dma_start3A_178 = tpu.memref_slice %arg10[%dma_start3A, %scan3A_93, %dma_start3A_177] : memref<4x128x10000xf32, #tpu.memory_space<vmem>> -> memref<1x1x10000xf32, #tpu.memory_space<vmem>>
          %dma_start3A_179 = tpu.memref_squeeze %dma_start3A_178 : memref<1x1x10000xf32, #tpu.memory_space<vmem>> -> memref<10000xf32, #tpu.memory_space<vmem>>
          %dma_start3A_180 = arith.constant 0 : i32
          %dma_start3A_181 = tpu.memref_slice %arg3[%get3A_173, %dma_start3A_180] : memref<10000x10000xf32, #tpu.memory_space<hbm>> -> memref<1x10000xf32, #tpu.memory_space<hbm>>
          %dma_start3A_182 = tpu.memref_squeeze %dma_start3A_181 : memref<1x10000xf32, #tpu.memory_space<hbm>> -> memref<10000xf32, #tpu.memory_space<hbm>>
          tpu.enqueue_dma source(%dma_start3A_182 : memref<10000xf32, #tpu.memory_space<hbm>>) target(%dma_start3A_179 : memref<10000xf32, #tpu.memory_space<vmem>>) target_semaphore(%dma_start3A_176 : memref<!tpu.dma_semaphore, #tpu.memory_space<semaphore_mem>>)
        } else {
        }
        %scan3A_98 = arith.constant 4 : i32
        %scan3A_99 = arith.addi %scan3A_75, %scan3A_98 : i32
        %lt3A_100 = arith.cmpi slt, %scan3A_99, %get3A_38 : i32
        %convert_element_type3A_101 = arith.extui %lt3A_100 : i1 to i32
        %cond3A_102 = arith.constant 0 : i32
        %cond3A_103 = arith.cmpi ne, %convert_element_type3A_101, %cond3A_102 : i32
        scf.if %cond3A_103 {
          %add3A_170 = arith.constant 0 : i32
          %add3A_171 = arith.addi %add3A_170, %scan3A_99 : i32
          %get3A_172 = arith.index_cast %add3A_171 : i32 to index
          %get3A_173 = memref.load %arg1[%get3A_172] : memref<4096xi32, #tpu.memory_space<smem>>
          %dma_start3A = arith.constant 0 : i32
          %dma_start3A_174 = arith.constant 0 : i32
          %dma_start3A_175 = tpu.memref_slice %arg11[%dma_start3A_174] : memref<4x!tpu.dma_semaphore, #tpu.memory_space<semaphore_mem>> -> memref<1x!tpu.dma_semaphore, #tpu.memory_space<semaphore_mem>>
          %dma_start3A_176 = tpu.memref_squeeze %dma_start3A_175 : memref<1x!tpu.dma_semaphore, #tpu.memory_space<semaphore_mem>> -> memref<!tpu.dma_semaphore, #tpu.memory_space<semaphore_mem>>
          %dma_start3A_177 = arith.constant 0 : i32
          %dma_start3A_178 = tpu.memref_slice %arg10[%dma_start3A, %scan3A_99, %dma_start3A_177] : memref<4x128x10000xf32, #tpu.memory_space<vmem>> -> memref<1x1x10000xf32, #tpu.memory_space<vmem>>
          %dma_start3A_179 = tpu.memref_squeeze %dma_start3A_178 : memref<1x1x10000xf32, #tpu.memory_space<vmem>> -> memref<10000xf32, #tpu.memory_space<vmem>>
          %dma_start3A_180 = arith.constant 0 : i32
          %dma_start3A_181 = tpu.memref_slice %arg3[%get3A_173, %dma_start3A_180] : memref<10000x10000xf32, #tpu.memory_space<hbm>> -> memref<1x10000xf32, #tpu.memory_space<hbm>>
          %dma_start3A_182 = tpu.memref_squeeze %dma_start3A_181 : memref<1x10000xf32, #tpu.memory_space<hbm>> -> memref<10000xf32, #tpu.memory_space<hbm>>
          tpu.enqueue_dma source(%dma_start3A_182 : memref<10000xf32, #tpu.memory_space<hbm>>) target(%dma_start3A_179 : memref<10000xf32, #tpu.memory_space<vmem>>) target_semaphore(%dma_start3A_176 : memref<!tpu.dma_semaphore, #tpu.memory_space<semaphore_mem>>)
        } else {
        }
        %scan3A_104 = arith.constant 5 : i32
        %scan3A_105 = arith.addi %scan3A_75, %scan3A_104 : i32
        %lt3A_106 = arith.cmpi slt, %scan3A_105, %get3A_38 : i32
        %convert_element_type3A_107 = arith.extui %lt3A_106 : i1 to i32
        %cond3A_108 = arith.constant 0 : i32
        %cond3A_109 = arith.cmpi ne, %convert_element_type3A_107, %cond3A_108 : i32
        scf.if %cond3A_109 {
          %add3A_170 = arith.constant 0 : i32
          %add3A_171 = arith.addi %add3A_170, %scan3A_105 : i32
          %get3A_172 = arith.index_cast %add3A_171 : i32 to index
          %get3A_173 = memref.load %arg1[%get3A_172] : memref<4096xi32, #tpu.memory_space<smem>>
          %dma_start3A = arith.constant 0 : i32
          %dma_start3A_174 = arith.constant 0 : i32
          %dma_start3A_175 = tpu.memref_slice %arg11[%dma_start3A_174] : memref<4x!tpu.dma_semaphore, #tpu.memory_space<semaphore_mem>> -> memref<1x!tpu.dma_semaphore, #tpu.memory_space<semaphore_mem>>
          %dma_start3A_176 = tpu.memref_squeeze %dma_start3A_175 : memref<1x!tpu.dma_semaphore, #tpu.memory_space<semaphore_mem>> -> memref<!tpu.dma_semaphore, #tpu.memory_space<semaphore_mem>>
          %dma_start3A_177 = arith.constant 0 : i32
          %dma_start3A_178 = tpu.memref_slice %arg10[%dma_start3A, %scan3A_105, %dma_start3A_177] : memref<4x128x10000xf32, #tpu.memory_space<vmem>> -> memref<1x1x10000xf32, #tpu.memory_space<vmem>>
          %dma_start3A_179 = tpu.memref_squeeze %dma_start3A_178 : memref<1x1x10000xf32, #tpu.memory_space<vmem>> -> memref<10000xf32, #tpu.memory_space<vmem>>
          %dma_start3A_180 = arith.constant 0 : i32
          %dma_start3A_181 = tpu.memref_slice %arg3[%get3A_173, %dma_start3A_180] : memref<10000x10000xf32, #tpu.memory_space<hbm>> -> memref<1x10000xf32, #tpu.memory_space<hbm>>
          %dma_start3A_182 = tpu.memref_squeeze %dma_start3A_181 : memref<1x10000xf32, #tpu.memory_space<hbm>> -> memref<10000xf32, #tpu.memory_space<hbm>>
          tpu.enqueue_dma source(%dma_start3A_182 : memref<10000xf32, #tpu.memory_space<hbm>>) target(%dma_start3A_179 : memref<10000xf32, #tpu.memory_space<vmem>>) target_semaphore(%dma_start3A_176 : memref<!tpu.dma_semaphore, #tpu.memory_space<semaphore_mem>>)
        } else {
        }
        %scan3A_110 = arith.constant 6 : i32
        %scan3A_111 = arith.addi %scan3A_75, %scan3A_110 : i32
        %lt3A_112 = arith.cmpi slt, %scan3A_111, %get3A_38 : i32
        %convert_element_type3A_113 = arith.extui %lt3A_112 : i1 to i32
        %cond3A_114 = arith.constant 0 : i32
        %cond3A_115 = arith.cmpi ne, %convert_element_type3A_113, %cond3A_114 : i32
        scf.if %cond3A_115 {
          %add3A_170 = arith.constant 0 : i32
          %add3A_171 = arith.addi %add3A_170, %scan3A_111 : i32
          %get3A_172 = arith.index_cast %add3A_171 : i32 to index
          %get3A_173 = memref.load %arg1[%get3A_172] : memref<4096xi32, #tpu.memory_space<smem>>
          %dma_start3A = arith.constant 0 : i32
          %dma_start3A_174 = arith.constant 0 : i32
          %dma_start3A_175 = tpu.memref_slice %arg11[%dma_start3A_174] : memref<4x!tpu.dma_semaphore, #tpu.memory_space<semaphore_mem>> -> memref<1x!tpu.dma_semaphore, #tpu.memory_space<semaphore_mem>>
          %dma_start3A_176 = tpu.memref_squeeze %dma_start3A_175 : memref<1x!tpu.dma_semaphore, #tpu.memory_space<semaphore_mem>> -> memref<!tpu.dma_semaphore, #tpu.memory_space<semaphore_mem>>
          %dma_start3A_177 = arith.constant 0 : i32
          %dma_start3A_178 = tpu.memref_slice %arg10[%dma_start3A, %scan3A_111, %dma_start3A_177] : memref<4x128x10000xf32, #tpu.memory_space<vmem>> -> memref<1x1x10000xf32, #tpu.memory_space<vmem>>
          %dma_start3A_179 = tpu.memref_squeeze %dma_start3A_178 : memref<1x1x10000xf32, #tpu.memory_space<vmem>> -> memref<10000xf32, #tpu.memory_space<vmem>>
          %dma_start3A_180 = arith.constant 0 : i32
          %dma_start3A_181 = tpu.memref_slice %arg3[%get3A_173, %dma_start3A_180] : memref<10000x10000xf32, #tpu.memory_space<hbm>> -> memref<1x10000xf32, #tpu.memory_space<hbm>>
          %dma_start3A_182 = tpu.memref_squeeze %dma_start3A_181 : memref<1x10000xf32, #tpu.memory_space<hbm>> -> memref<10000xf32, #tpu.memory_space<hbm>>
          tpu.enqueue_dma source(%dma_start3A_182 : memref<10000xf32, #tpu.memory_space<hbm>>) target(%dma_start3A_179 : memref<10000xf32, #tpu.memory_space<vmem>>) target_semaphore(%dma_start3A_176 : memref<!tpu.dma_semaphore, #tpu.memory_space<semaphore_mem>>)
        } else {
        }
        %scan3A_116 = arith.constant 7 : i32
        %scan3A_117 = arith.addi %scan3A_75, %scan3A_116 : i32
        %lt3A_118 = arith.cmpi slt, %scan3A_117, %get3A_38 : i32
        %convert_element_type3A_119 = arith.extui %lt3A_118 : i1 to i32
        %cond3A_120 = arith.constant 0 : i32
        %cond3A_121 = arith.cmpi ne, %convert_element_type3A_119, %cond3A_120 : i32
        scf.if %cond3A_121 {
          %add3A_170 = arith.constant 0 : i32
          %add3A_171 = arith.addi %add3A_170, %scan3A_117 : i32
          %get3A_172 = arith.index_cast %add3A_171 : i32 to index
          %get3A_173 = memref.load %arg1[%get3A_172] : memref<4096xi32, #tpu.memory_space<smem>>
          %dma_start3A = arith.constant 0 : i32
          %dma_start3A_174 = arith.constant 0 : i32
          %dma_start3A_175 = tpu.memref_slice %arg11[%dma_start3A_174] : memref<4x!tpu.dma_semaphore, #tpu.memory_space<semaphore_mem>> -> memref<1x!tpu.dma_semaphore, #tpu.memory_space<semaphore_mem>>
          %dma_start3A_176 = tpu.memref_squeeze %dma_start3A_175 : memref<1x!tpu.dma_semaphore, #tpu.memory_space<semaphore_mem>> -> memref<!tpu.dma_semaphore, #tpu.memory_space<semaphore_mem>>
          %dma_start3A_177 = arith.constant 0 : i32
          %dma_start3A_178 = tpu.memref_slice %arg10[%dma_start3A, %scan3A_117, %dma_start3A_177] : memref<4x128x10000xf32, #tpu.memory_space<vmem>> -> memref<1x1x10000xf32, #tpu.memory_space<vmem>>
          %dma_start3A_179 = tpu.memref_squeeze %dma_start3A_178 : memref<1x1x10000xf32, #tpu.memory_space<vmem>> -> memref<10000xf32, #tpu.memory_space<vmem>>
          %dma_start3A_180 = arith.constant 0 : i32
          %dma_start3A_181 = tpu.memref_slice %arg3[%get3A_173, %dma_start3A_180] : memref<10000x10000xf32, #tpu.memory_space<hbm>> -> memref<1x10000xf32, #tpu.memory_space<hbm>>
          %dma_start3A_182 = tpu.memref_squeeze %dma_start3A_181 : memref<1x10000xf32, #tpu.memory_space<hbm>> -> memref<10000xf32, #tpu.memory_space<hbm>>
          tpu.enqueue_dma source(%dma_start3A_182 : memref<10000xf32, #tpu.memory_space<hbm>>) target(%dma_start3A_179 : memref<10000xf32, #tpu.memory_space<vmem>>) target_semaphore(%dma_start3A_176 : memref<!tpu.dma_semaphore, #tpu.memory_space<semaphore_mem>>)
        } else {
        }
        %scan3A_122 = arith.constant 8 : i32
        %scan3A_123 = arith.addi %scan3A_75, %scan3A_122 : i32
        %lt3A_124 = arith.cmpi slt, %scan3A_123, %get3A_38 : i32
        %convert_element_type3A_125 = arith.extui %lt3A_124 : i1 to i32
        %cond3A_126 = arith.constant 0 : i32
        %cond3A_127 = arith.cmpi ne, %convert_element_type3A_125, %cond3A_126 : i32
        scf.if %cond3A_127 {
          %add3A_170 = arith.constant 0 : i32
          %add3A_171 = arith.addi %add3A_170, %scan3A_123 : i32
          %get3A_172 = arith.index_cast %add3A_171 : i32 to index
          %get3A_173 = memref.load %arg1[%get3A_172] : memref<4096xi32, #tpu.memory_space<smem>>
          %dma_start3A = arith.constant 0 : i32
          %dma_start3A_174 = arith.constant 0 : i32
          %dma_start3A_175 = tpu.memref_slice %arg11[%dma_start3A_174] : memref<4x!tpu.dma_semaphore, #tpu.memory_space<semaphore_mem>> -> memref<1x!tpu.dma_semaphore, #tpu.memory_space<semaphore_mem>>
          %dma_start3A_176 = tpu.memref_squeeze %dma_start3A_175 : memref<1x!tpu.dma_semaphore, #tpu.memory_space<semaphore_mem>> -> memref<!tpu.dma_semaphore, #tpu.memory_space<semaphore_mem>>
          %dma_start3A_177 = arith.constant 0 : i32
          %dma_start3A_178 = tpu.memref_slice %arg10[%dma_start3A, %scan3A_123, %dma_start3A_177] : memref<4x128x10000xf32, #tpu.memory_space<vmem>> -> memref<1x1x10000xf32, #tpu.memory_space<vmem>>
          %dma_start3A_179 = tpu.memref_squeeze %dma_start3A_178 : memref<1x1x10000xf32, #tpu.memory_space<vmem>> -> memref<10000xf32, #tpu.memory_space<vmem>>
          %dma_start3A_180 = arith.constant 0 : i32
          %dma_start3A_181 = tpu.memref_slice %arg3[%get3A_173, %dma_start3A_180] : memref<10000x10000xf32, #tpu.memory_space<hbm>> -> memref<1x10000xf32, #tpu.memory_space<hbm>>
          %dma_start3A_182 = tpu.memref_squeeze %dma_start3A_181 : memref<1x10000xf32, #tpu.memory_space<hbm>> -> memref<10000xf32, #tpu.memory_space<hbm>>
          tpu.enqueue_dma source(%dma_start3A_182 : memref<10000xf32, #tpu.memory_space<hbm>>) target(%dma_start3A_179 : memref<10000xf32, #tpu.memory_space<vmem>>) target_semaphore(%dma_start3A_176 : memref<!tpu.dma_semaphore, #tpu.memory_space<semaphore_mem>>)
        } else {
        }
        %scan3A_128 = arith.constant 9 : i32
        %scan3A_129 = arith.addi %scan3A_75, %scan3A_128 : i32
        %lt3A_130 = arith.cmpi slt, %scan3A_129, %get3A_38 : i32
        %convert_element_type3A_131 = arith.extui %lt3A_130 : i1 to i32
        %cond3A_132 = arith.constant 0 : i32
        %cond3A_133 = arith.cmpi ne, %convert_element_type3A_131, %cond3A_132 : i32
        scf.if %cond3A_133 {
          %add3A_170 = arith.constant 0 : i32
          %add3A_171 = arith.addi %add3A_170, %scan3A_129 : i32
          %get3A_172 = arith.index_cast %add3A_171 : i32 to index
          %get3A_173 = memref.load %arg1[%get3A_172] : memref<4096xi32, #tpu.memory_space<smem>>
          %dma_start3A = arith.constant 0 : i32
          %dma_start3A_174 = arith.constant 0 : i32
          %dma_start3A_175 = tpu.memref_slice %arg11[%dma_start3A_174] : memref<4x!tpu.dma_semaphore, #tpu.memory_space<semaphore_mem>> -> memref<1x!tpu.dma_semaphore, #tpu.memory_space<semaphore_mem>>
          %dma_start3A_176 = tpu.memref_squeeze %dma_start3A_175 : memref<1x!tpu.dma_semaphore, #tpu.memory_space<semaphore_mem>> -> memref<!tpu.dma_semaphore, #tpu.memory_space<semaphore_mem>>
          %dma_start3A_177 = arith.constant 0 : i32
          %dma_start3A_178 = tpu.memref_slice %arg10[%dma_start3A, %scan3A_129, %dma_start3A_177] : memref<4x128x10000xf32, #tpu.memory_space<vmem>> -> memref<1x1x10000xf32, #tpu.memory_space<vmem>>
          %dma_start3A_179 = tpu.memref_squeeze %dma_start3A_178 : memref<1x1x10000xf32, #tpu.memory_space<vmem>> -> memref<10000xf32, #tpu.memory_space<vmem>>
          %dma_start3A_180 = arith.constant 0 : i32
          %dma_start3A_181 = tpu.memref_slice %arg3[%get3A_173, %dma_start3A_180] : memref<10000x10000xf32, #tpu.memory_space<hbm>> -> memref<1x10000xf32, #tpu.memory_space<hbm>>
          %dma_start3A_182 = tpu.memref_squeeze %dma_start3A_181 : memref<1x10000xf32, #tpu.memory_space<hbm>> -> memref<10000xf32, #tpu.memory_space<hbm>>
          tpu.enqueue_dma source(%dma_start3A_182 : memref<10000xf32, #tpu.memory_space<hbm>>) target(%dma_start3A_179 : memref<10000xf32, #tpu.memory_space<vmem>>) target_semaphore(%dma_start3A_176 : memref<!tpu.dma_semaphore, #tpu.memory_space<semaphore_mem>>)
        } else {
        }
        %scan3A_134 = arith.constant 10 : i32
        %scan3A_135 = arith.addi %scan3A_75, %scan3A_134 : i32
        %lt3A_136 = arith.cmpi slt, %scan3A_135, %get3A_38 : i32
        %convert_element_type3A_137 = arith.extui %lt3A_136 : i1 to i32
        %cond3A_138 = arith.constant 0 : i32
        %cond3A_139 = arith.cmpi ne, %convert_element_type3A_137, %cond3A_138 : i32
        scf.if %cond3A_139 {
          %add3A_170 = arith.constant 0 : i32
          %add3A_171 = arith.addi %add3A_170, %scan3A_135 : i32
          %get3A_172 = arith.index_cast %add3A_171 : i32 to index
          %get3A_173 = memref.load %arg1[%get3A_172] : memref<4096xi32, #tpu.memory_space<smem>>
          %dma_start3A = arith.constant 0 : i32
          %dma_start3A_174 = arith.constant 0 : i32
          %dma_start3A_175 = tpu.memref_slice %arg11[%dma_start3A_174] : memref<4x!tpu.dma_semaphore, #tpu.memory_space<semaphore_mem>> -> memref<1x!tpu.dma_semaphore, #tpu.memory_space<semaphore_mem>>
          %dma_start3A_176 = tpu.memref_squeeze %dma_start3A_175 : memref<1x!tpu.dma_semaphore, #tpu.memory_space<semaphore_mem>> -> memref<!tpu.dma_semaphore, #tpu.memory_space<semaphore_mem>>
          %dma_start3A_177 = arith.constant 0 : i32
          %dma_start3A_178 = tpu.memref_slice %arg10[%dma_start3A, %scan3A_135, %dma_start3A_177] : memref<4x128x10000xf32, #tpu.memory_space<vmem>> -> memref<1x1x10000xf32, #tpu.memory_space<vmem>>
          %dma_start3A_179 = tpu.memref_squeeze %dma_start3A_178 : memref<1x1x10000xf32, #tpu.memory_space<vmem>> -> memref<10000xf32, #tpu.memory_space<vmem>>
          %dma_start3A_180 = arith.constant 0 : i32
          %dma_start3A_181 = tpu.memref_slice %arg3[%get3A_173, %dma_start3A_180] : memref<10000x10000xf32, #tpu.memory_space<hbm>> -> memref<1x10000xf32, #tpu.memory_space<hbm>>
          %dma_start3A_182 = tpu.memref_squeeze %dma_start3A_181 : memref<1x10000xf32, #tpu.memory_space<hbm>> -> memref<10000xf32, #tpu.memory_space<hbm>>
          tpu.enqueue_dma source(%dma_start3A_182 : memref<10000xf32, #tpu.memory_space<hbm>>) target(%dma_start3A_179 : memref<10000xf32, #tpu.memory_space<vmem>>) target_semaphore(%dma_start3A_176 : memref<!tpu.dma_semaphore, #tpu.memory_space<semaphore_mem>>)
        } else {
        }
        %scan3A_140 = arith.constant 11 : i32
        %scan3A_141 = arith.addi %scan3A_75, %scan3A_140 : i32
        %lt3A_142 = arith.cmpi slt, %scan3A_141, %get3A_38 : i32
        %convert_element_type3A_143 = arith.extui %lt3A_142 : i1 to i32
        %cond3A_144 = arith.constant 0 : i32
        %cond3A_145 = arith.cmpi ne, %convert_element_type3A_143, %cond3A_144 : i32
        scf.if %cond3A_145 {
          %add3A_170 = arith.constant 0 : i32
          %add3A_171 = arith.addi %add3A_170, %scan3A_141 : i32
          %get3A_172 = arith.index_cast %add3A_171 : i32 to index
          %get3A_173 = memref.load %arg1[%get3A_172] : memref<4096xi32, #tpu.memory_space<smem>>
          %dma_start3A = arith.constant 0 : i32
          %dma_start3A_174 = arith.constant 0 : i32
          %dma_start3A_175 = tpu.memref_slice %arg11[%dma_start3A_174] : memref<4x!tpu.dma_semaphore, #tpu.memory_space<semaphore_mem>> -> memref<1x!tpu.dma_semaphore, #tpu.memory_space<semaphore_mem>>
          %dma_start3A_176 = tpu.memref_squeeze %dma_start3A_175 : memref<1x!tpu.dma_semaphore, #tpu.memory_space<semaphore_mem>> -> memref<!tpu.dma_semaphore, #tpu.memory_space<semaphore_mem>>
          %dma_start3A_177 = arith.constant 0 : i32
          %dma_start3A_178 = tpu.memref_slice %arg10[%dma_start3A, %scan3A_141, %dma_start3A_177] : memref<4x128x10000xf32, #tpu.memory_space<vmem>> -> memref<1x1x10000xf32, #tpu.memory_space<vmem>>
          %dma_start3A_179 = tpu.memref_squeeze %dma_start3A_178 : memref<1x1x10000xf32, #tpu.memory_space<vmem>> -> memref<10000xf32, #tpu.memory_space<vmem>>
          %dma_start3A_180 = arith.constant 0 : i32
          %dma_start3A_181 = tpu.memref_slice %arg3[%get3A_173, %dma_start3A_180] : memref<10000x10000xf32, #tpu.memory_space<hbm>> -> memref<1x10000xf32, #tpu.memory_space<hbm>>
          %dma_start3A_182 = tpu.memref_squeeze %dma_start3A_181 : memref<1x10000xf32, #tpu.memory_space<hbm>> -> memref<10000xf32, #tpu.memory_space<hbm>>
          tpu.enqueue_dma source(%dma_start3A_182 : memref<10000xf32, #tpu.memory_space<hbm>>) target(%dma_start3A_179 : memref<10000xf32, #tpu.memory_space<vmem>>) target_semaphore(%dma_start3A_176 : memref<!tpu.dma_semaphore, #tpu.memory_space<semaphore_mem>>)
        } else {
        }
        %scan3A_146 = arith.constant 12 : i32
        %scan3A_147 = arith.addi %scan3A_75, %scan3A_146 : i32
        %lt3A_148 = arith.cmpi slt, %scan3A_147, %get3A_38 : i32
        %convert_element_type3A_149 = arith.extui %lt3A_148 : i1 to i32
        %cond3A_150 = arith.constant 0 : i32
        %cond3A_151 = arith.cmpi ne, %convert_element_type3A_149, %cond3A_150 : i32
        scf.if %cond3A_151 {
          %add3A_170 = arith.constant 0 : i32
          %add3A_171 = arith.addi %add3A_170, %scan3A_147 : i32
          %get3A_172 = arith.index_cast %add3A_171 : i32 to index
          %get3A_173 = memref.load %arg1[%get3A_172] : memref<4096xi32, #tpu.memory_space<smem>>
          %dma_start3A = arith.constant 0 : i32
          %dma_start3A_174 = arith.constant 0 : i32
          %dma_start3A_175 = tpu.memref_slice %arg11[%dma_start3A_174] : memref<4x!tpu.dma_semaphore, #tpu.memory_space<semaphore_mem>> -> memref<1x!tpu.dma_semaphore, #tpu.memory_space<semaphore_mem>>
          %dma_start3A_176 = tpu.memref_squeeze %dma_start3A_175 : memref<1x!tpu.dma_semaphore, #tpu.memory_space<semaphore_mem>> -> memref<!tpu.dma_semaphore, #tpu.memory_space<semaphore_mem>>
          %dma_start3A_177 = arith.constant 0 : i32
          %dma_start3A_178 = tpu.memref_slice %arg10[%dma_start3A, %scan3A_147, %dma_start3A_177] : memref<4x128x10000xf32, #tpu.memory_space<vmem>> -> memref<1x1x10000xf32, #tpu.memory_space<vmem>>
          %dma_start3A_179 = tpu.memref_squeeze %dma_start3A_178 : memref<1x1x10000xf32, #tpu.memory_space<vmem>> -> memref<10000xf32, #tpu.memory_space<vmem>>
          %dma_start3A_180 = arith.constant 0 : i32
          %dma_start3A_181 = tpu.memref_slice %arg3[%get3A_173, %dma_start3A_180] : memref<10000x10000xf32, #tpu.memory_space<hbm>> -> memref<1x10000xf32, #tpu.memory_space<hbm>>
          %dma_start3A_182 = tpu.memref_squeeze %dma_start3A_181 : memref<1x10000xf32, #tpu.memory_space<hbm>> -> memref<10000xf32, #tpu.memory_space<hbm>>
          tpu.enqueue_dma source(%dma_start3A_182 : memref<10000xf32, #tpu.memory_space<hbm>>) target(%dma_start3A_179 : memref<10000xf32, #tpu.memory_space<vmem>>) target_semaphore(%dma_start3A_176 : memref<!tpu.dma_semaphore, #tpu.memory_space<semaphore_mem>>)
        } else {
        }
        %scan3A_152 = arith.constant 13 : i32
        %scan3A_153 = arith.addi %scan3A_75, %scan3A_152 : i32
        %lt3A_154 = arith.cmpi slt, %scan3A_153, %get3A_38 : i32
        %convert_element_type3A_155 = arith.extui %lt3A_154 : i1 to i32
        %cond3A_156 = arith.constant 0 : i32
        %cond3A_157 = arith.cmpi ne, %convert_element_type3A_155, %cond3A_156 : i32
        scf.if %cond3A_157 {
          %add3A_170 = arith.constant 0 : i32
          %add3A_171 = arith.addi %add3A_170, %scan3A_153 : i32
          %get3A_172 = arith.index_cast %add3A_171 : i32 to index
          %get3A_173 = memref.load %arg1[%get3A_172] : memref<4096xi32, #tpu.memory_space<smem>>
          %dma_start3A = arith.constant 0 : i32
          %dma_start3A_174 = arith.constant 0 : i32
          %dma_start3A_175 = tpu.memref_slice %arg11[%dma_start3A_174] : memref<4x!tpu.dma_semaphore, #tpu.memory_space<semaphore_mem>> -> memref<1x!tpu.dma_semaphore, #tpu.memory_space<semaphore_mem>>
          %dma_start3A_176 = tpu.memref_squeeze %dma_start3A_175 : memref<1x!tpu.dma_semaphore, #tpu.memory_space<semaphore_mem>> -> memref<!tpu.dma_semaphore, #tpu.memory_space<semaphore_mem>>
          %dma_start3A_177 = arith.constant 0 : i32
          %dma_start3A_178 = tpu.memref_slice %arg10[%dma_start3A, %scan3A_153, %dma_start3A_177] : memref<4x128x10000xf32, #tpu.memory_space<vmem>> -> memref<1x1x10000xf32, #tpu.memory_space<vmem>>
          %dma_start3A_179 = tpu.memref_squeeze %dma_start3A_178 : memref<1x1x10000xf32, #tpu.memory_space<vmem>> -> memref<10000xf32, #tpu.memory_space<vmem>>
          %dma_start3A_180 = arith.constant 0 : i32
          %dma_start3A_181 = tpu.memref_slice %arg3[%get3A_173, %dma_start3A_180] : memref<10000x10000xf32, #tpu.memory_space<hbm>> -> memref<1x10000xf32, #tpu.memory_space<hbm>>
          %dma_start3A_182 = tpu.memref_squeeze %dma_start3A_181 : memref<1x10000xf32, #tpu.memory_space<hbm>> -> memref<10000xf32, #tpu.memory_space<hbm>>
          tpu.enqueue_dma source(%dma_start3A_182 : memref<10000xf32, #tpu.memory_space<hbm>>) target(%dma_start3A_179 : memref<10000xf32, #tpu.memory_space<vmem>>) target_semaphore(%dma_start3A_176 : memref<!tpu.dma_semaphore, #tpu.memory_space<semaphore_mem>>)
        } else {
        }
        %scan3A_158 = arith.constant 14 : i32
        %scan3A_159 = arith.addi %scan3A_75, %scan3A_158 : i32
        %lt3A_160 = arith.cmpi slt, %scan3A_159, %get3A_38 : i32
        %convert_element_type3A_161 = arith.extui %lt3A_160 : i1 to i32
        %cond3A_162 = arith.constant 0 : i32
        %cond3A_163 = arith.cmpi ne, %convert_element_type3A_161, %cond3A_162 : i32
        scf.if %cond3A_163 {
          %add3A_170 = arith.constant 0 : i32
          %add3A_171 = arith.addi %add3A_170, %scan3A_159 : i32
          %get3A_172 = arith.index_cast %add3A_171 : i32 to index
          %get3A_173 = memref.load %arg1[%get3A_172] : memref<4096xi32, #tpu.memory_space<smem>>
          %dma_start3A = arith.constant 0 : i32
          %dma_start3A_174 = arith.constant 0 : i32
          %dma_start3A_175 = tpu.memref_slice %arg11[%dma_start3A_174] : memref<4x!tpu.dma_semaphore, #tpu.memory_space<semaphore_mem>> -> memref<1x!tpu.dma_semaphore, #tpu.memory_space<semaphore_mem>>
          %dma_start3A_176 = tpu.memref_squeeze %dma_start3A_175 : memref<1x!tpu.dma_semaphore, #tpu.memory_space<semaphore_mem>> -> memref<!tpu.dma_semaphore, #tpu.memory_space<semaphore_mem>>
          %dma_start3A_177 = arith.constant 0 : i32
          %dma_start3A_178 = tpu.memref_slice %arg10[%dma_start3A, %scan3A_159, %dma_start3A_177] : memref<4x128x10000xf32, #tpu.memory_space<vmem>> -> memref<1x1x10000xf32, #tpu.memory_space<vmem>>
          %dma_start3A_179 = tpu.memref_squeeze %dma_start3A_178 : memref<1x1x10000xf32, #tpu.memory_space<vmem>> -> memref<10000xf32, #tpu.memory_space<vmem>>
          %dma_start3A_180 = arith.constant 0 : i32
          %dma_start3A_181 = tpu.memref_slice %arg3[%get3A_173, %dma_start3A_180] : memref<10000x10000xf32, #tpu.memory_space<hbm>> -> memref<1x10000xf32, #tpu.memory_space<hbm>>
          %dma_start3A_182 = tpu.memref_squeeze %dma_start3A_181 : memref<1x10000xf32, #tpu.memory_space<hbm>> -> memref<10000xf32, #tpu.memory_space<hbm>>
          tpu.enqueue_dma source(%dma_start3A_182 : memref<10000xf32, #tpu.memory_space<hbm>>) target(%dma_start3A_179 : memref<10000xf32, #tpu.memory_space<vmem>>) target_semaphore(%dma_start3A_176 : memref<!tpu.dma_semaphore, #tpu.memory_space<semaphore_mem>>)
        } else {
        }
        %scan3A_164 = arith.constant 15 : i32
        %scan3A_165 = arith.addi %scan3A_75, %scan3A_164 : i32
        %lt3A_166 = arith.cmpi slt, %scan3A_165, %get3A_38 : i32
        %convert_element_type3A_167 = arith.extui %lt3A_166 : i1 to i32
        %cond3A_168 = arith.constant 0 : i32
        %cond3A_169 = arith.cmpi ne, %convert_element_type3A_167, %cond3A_168 : i32
        scf.if %cond3A_169 {
          %add3A_170 = arith.constant 0 : i32
          %add3A_171 = arith.addi %add3A_170, %scan3A_165 : i32
          %get3A_172 = arith.index_cast %add3A_171 : i32 to index
          %get3A_173 = memref.load %arg1[%get3A_172] : memref<4096xi32, #tpu.memory_space<smem>>
          %dma_start3A = arith.constant 0 : i32
          %dma_start3A_174 = arith.constant 0 : i32
          %dma_start3A_175 = tpu.memref_slice %arg11[%dma_start3A_174] : memref<4x!tpu.dma_semaphore, #tpu.memory_space<semaphore_mem>> -> memref<1x!tpu.dma_semaphore, #tpu.memory_space<semaphore_mem>>
          %dma_start3A_176 = tpu.memref_squeeze %dma_start3A_175 : memref<1x!tpu.dma_semaphore, #tpu.memory_space<semaphore_mem>> -> memref<!tpu.dma_semaphore, #tpu.memory_space<semaphore_mem>>
          %dma_start3A_177 = arith.constant 0 : i32
          %dma_start3A_178 = tpu.memref_slice %arg10[%dma_start3A, %scan3A_165, %dma_start3A_177] : memref<4x128x10000xf32, #tpu.memory_space<vmem>> -> memref<1x1x10000xf32, #tpu.memory_space<vmem>>
          %dma_start3A_179 = tpu.memref_squeeze %dma_start3A_178 : memref<1x1x10000xf32, #tpu.memory_space<vmem>> -> memref<10000xf32, #tpu.memory_space<vmem>>
          %dma_start3A_180 = arith.constant 0 : i32
          %dma_start3A_181 = tpu.memref_slice %arg3[%get3A_173, %dma_start3A_180] : memref<10000x10000xf32, #tpu.memory_space<hbm>> -> memref<1x10000xf32, #tpu.memory_space<hbm>>
          %dma_start3A_182 = tpu.memref_squeeze %dma_start3A_181 : memref<1x10000xf32, #tpu.memory_space<hbm>> -> memref<10000xf32, #tpu.memory_space<hbm>>
          tpu.enqueue_dma source(%dma_start3A_182 : memref<10000xf32, #tpu.memory_space<hbm>>) target(%dma_start3A_179 : memref<10000xf32, #tpu.memory_space<vmem>>) target_semaphore(%dma_start3A_176 : memref<!tpu.dma_semaphore, #tpu.memory_space<semaphore_mem>>)
        } else {
        }
      }
      %scan3A_43 = arith.constant 128 : i32
      %get3A_44 = arith.constant 1 : index
      %get3A_45 = memref.load %arg2[%get3A_44] : memref<32xi32, #tpu.memory_space<smem>>
      %scan3A_46 = arith.constant 0 : i32
      %scan3A_47 = arith.constant 128 : i32
      %scan3A_48 = arith.addi %scan3A_46, %scan3A_47 : i32
      %scan3A_49 = arith.constant 16 : i32
      scf.for %scan3A_75 = %scan3A_46 to %scan3A_48 step %scan3A_49  : i32 {
        %lt3A_76 = arith.cmpi slt, %scan3A_75, %get3A_45 : i32
        %convert_element_type3A_77 = arith.extui %lt3A_76 : i1 to i32
        %cond3A_78 = arith.constant 0 : i32
        %cond3A_79 = arith.cmpi ne, %convert_element_type3A_77, %cond3A_78 : i32
        scf.if %cond3A_79 {
          %add3A_170 = arith.constant 128 : i32
          %add3A_171 = arith.addi %add3A_170, %scan3A_75 : i32
          %get3A_172 = arith.index_cast %add3A_171 : i32 to index
          %get3A_173 = memref.load %arg1[%get3A_172] : memref<4096xi32, #tpu.memory_space<smem>>
          %dma_start3A = arith.constant 1 : i32
          %dma_start3A_174 = arith.constant 1 : i32
          %dma_start3A_175 = tpu.memref_slice %arg11[%dma_start3A_174] : memref<4x!tpu.dma_semaphore, #tpu.memory_space<semaphore_mem>> -> memref<1x!tpu.dma_semaphore, #tpu.memory_space<semaphore_mem>>
          %dma_start3A_176 = tpu.memref_squeeze %dma_start3A_175 : memref<1x!tpu.dma_semaphore, #tpu.memory_space<semaphore_mem>> -> memref<!tpu.dma_semaphore, #tpu.memory_space<semaphore_mem>>
          %dma_start3A_177 = arith.constant 0 : i32
          %dma_start3A_178 = tpu.memref_slice %arg10[%dma_start3A, %scan3A_75, %dma_start3A_177] : memref<4x128x10000xf32, #tpu.memory_space<vmem>> -> memref<1x1x10000xf32, #tpu.memory_space<vmem>>
          %dma_start3A_179 = tpu.memref_squeeze %dma_start3A_178 : memref<1x1x10000xf32, #tpu.memory_space<vmem>> -> memref<10000xf32, #tpu.memory_space<vmem>>
          %dma_start3A_180 = arith.constant 0 : i32
          %dma_start3A_181 = tpu.memref_slice %arg3[%get3A_173, %dma_start3A_180] : memref<10000x10000xf32, #tpu.memory_space<hbm>> -> memref<1x10000xf32, #tpu.memory_space<hbm>>
          %dma_start3A_182 = tpu.memref_squeeze %dma_start3A_181 : memref<1x10000xf32, #tpu.memory_space<hbm>> -> memref<10000xf32, #tpu.memory_space<hbm>>
          tpu.enqueue_dma source(%dma_start3A_182 : memref<10000xf32, #tpu.memory_space<hbm>>) target(%dma_start3A_179 : memref<10000xf32, #tpu.memory_space<vmem>>) target_semaphore(%dma_start3A_176 : memref<!tpu.dma_semaphore, #tpu.memory_space<semaphore_mem>>)
        } else {
        }
        %scan3A_80 = arith.constant 1 : i32
        %scan3A_81 = arith.addi %scan3A_75, %scan3A_80 : i32
        %lt3A_82 = arith.cmpi slt, %scan3A_81, %get3A_45 : i32
        %convert_element_type3A_83 = arith.extui %lt3A_82 : i1 to i32
        %cond3A_84 = arith.constant 0 : i32
        %cond3A_85 = arith.cmpi ne, %convert_element_type3A_83, %cond3A_84 : i32
        scf.if %cond3A_85 {
          %add3A_170 = arith.constant 128 : i32
          %add3A_171 = arith.addi %add3A_170, %scan3A_81 : i32
          %get3A_172 = arith.index_cast %add3A_171 : i32 to index
          %get3A_173 = memref.load %arg1[%get3A_172] : memref<4096xi32, #tpu.memory_space<smem>>
          %dma_start3A = arith.constant 1 : i32
          %dma_start3A_174 = arith.constant 1 : i32
          %dma_start3A_175 = tpu.memref_slice %arg11[%dma_start3A_174] : memref<4x!tpu.dma_semaphore, #tpu.memory_space<semaphore_mem>> -> memref<1x!tpu.dma_semaphore, #tpu.memory_space<semaphore_mem>>
          %dma_start3A_176 = tpu.memref_squeeze %dma_start3A_175 : memref<1x!tpu.dma_semaphore, #tpu.memory_space<semaphore_mem>> -> memref<!tpu.dma_semaphore, #tpu.memory_space<semaphore_mem>>
          %dma_start3A_177 = arith.constant 0 : i32
          %dma_start3A_178 = tpu.memref_slice %arg10[%dma_start3A, %scan3A_81, %dma_start3A_177] : memref<4x128x10000xf32, #tpu.memory_space<vmem>> -> memref<1x1x10000xf32, #tpu.memory_space<vmem>>
          %dma_start3A_179 = tpu.memref_squeeze %dma_start3A_178 : memref<1x1x10000xf32, #tpu.memory_space<vmem>> -> memref<10000xf32, #tpu.memory_space<vmem>>
          %dma_start3A_180 = arith.constant 0 : i32
          %dma_start3A_181 = tpu.memref_slice %arg3[%get3A_173, %dma_start3A_180] : memref<10000x10000xf32, #tpu.memory_space<hbm>> -> memref<1x10000xf32, #tpu.memory_space<hbm>>
          %dma_start3A_182 = tpu.memref_squeeze %dma_start3A_181 : memref<1x10000xf32, #tpu.memory_space<hbm>> -> memref<10000xf32, #tpu.memory_space<hbm>>
          tpu.enqueue_dma source(%dma_start3A_182 : memref<10000xf32, #tpu.memory_space<hbm>>) target(%dma_start3A_179 : memref<10000xf32, #tpu.memory_space<vmem>>) target_semaphore(%dma_start3A_176 : memref<!tpu.dma_semaphore, #tpu.memory_space<semaphore_mem>>)
        } else {
        }
        %scan3A_86 = arith.constant 2 : i32
        %scan3A_87 = arith.addi %scan3A_75, %scan3A_86 : i32
        %lt3A_88 = arith.cmpi slt, %scan3A_87, %get3A_45 : i32
        %convert_element_type3A_89 = arith.extui %lt3A_88 : i1 to i32
        %cond3A_90 = arith.constant 0 : i32
        %cond3A_91 = arith.cmpi ne, %convert_element_type3A_89, %cond3A_90 : i32
        scf.if %cond3A_91 {
          %add3A_170 = arith.constant 128 : i32
          %add3A_171 = arith.addi %add3A_170, %scan3A_87 : i32
          %get3A_172 = arith.index_cast %add3A_171 : i32 to index
          %get3A_173 = memref.load %arg1[%get3A_172] : memref<4096xi32, #tpu.memory_space<smem>>
          %dma_start3A = arith.constant 1 : i32
          %dma_start3A_174 = arith.constant 1 : i32
          %dma_start3A_175 = tpu.memref_slice %arg11[%dma_start3A_174] : memref<4x!tpu.dma_semaphore, #tpu.memory_space<semaphore_mem>> -> memref<1x!tpu.dma_semaphore, #tpu.memory_space<semaphore_mem>>
          %dma_start3A_176 = tpu.memref_squeeze %dma_start3A_175 : memref<1x!tpu.dma_semaphore, #tpu.memory_space<semaphore_mem>> -> memref<!tpu.dma_semaphore, #tpu.memory_space<semaphore_mem>>
          %dma_start3A_177 = arith.constant 0 : i32
          %dma_start3A_178 = tpu.memref_slice %arg10[%dma_start3A, %scan3A_87, %dma_start3A_177] : memref<4x128x10000xf32, #tpu.memory_space<vmem>> -> memref<1x1x10000xf32, #tpu.memory_space<vmem>>
          %dma_start3A_179 = tpu.memref_squeeze %dma_start3A_178 : memref<1x1x10000xf32, #tpu.memory_space<vmem>> -> memref<10000xf32, #tpu.memory_space<vmem>>
          %dma_start3A_180 = arith.constant 0 : i32
          %dma_start3A_181 = tpu.memref_slice %arg3[%get3A_173, %dma_start3A_180] : memref<10000x10000xf32, #tpu.memory_space<hbm>> -> memref<1x10000xf32, #tpu.memory_space<hbm>>
          %dma_start3A_182 = tpu.memref_squeeze %dma_start3A_181 : memref<1x10000xf32, #tpu.memory_space<hbm>> -> memref<10000xf32, #tpu.memory_space<hbm>>
          tpu.enqueue_dma source(%dma_start3A_182 : memref<10000xf32, #tpu.memory_space<hbm>>) target(%dma_start3A_179 : memref<10000xf32, #tpu.memory_space<vmem>>) target_semaphore(%dma_start3A_176 : memref<!tpu.dma_semaphore, #tpu.memory_space<semaphore_mem>>)
        } else {
        }
        %scan3A_92 = arith.constant 3 : i32
        %scan3A_93 = arith.addi %scan3A_75, %scan3A_92 : i32
        %lt3A_94 = arith.cmpi slt, %scan3A_93, %get3A_45 : i32
        %convert_element_type3A_95 = arith.extui %lt3A_94 : i1 to i32
        %cond3A_96 = arith.constant 0 : i32
        %cond3A_97 = arith.cmpi ne, %convert_element_type3A_95, %cond3A_96 : i32
        scf.if %cond3A_97 {
          %add3A_170 = arith.constant 128 : i32
          %add3A_171 = arith.addi %add3A_170, %scan3A_93 : i32
          %get3A_172 = arith.index_cast %add3A_171 : i32 to index
          %get3A_173 = memref.load %arg1[%get3A_172] : memref<4096xi32, #tpu.memory_space<smem>>
          %dma_start3A = arith.constant 1 : i32
          %dma_start3A_174 = arith.constant 1 : i32
          %dma_start3A_175 = tpu.memref_slice %arg11[%dma_start3A_174] : memref<4x!tpu.dma_semaphore, #tpu.memory_space<semaphore_mem>> -> memref<1x!tpu.dma_semaphore, #tpu.memory_space<semaphore_mem>>
          %dma_start3A_176 = tpu.memref_squeeze %dma_start3A_175 : memref<1x!tpu.dma_semaphore, #tpu.memory_space<semaphore_mem>> -> memref<!tpu.dma_semaphore, #tpu.memory_space<semaphore_mem>>
          %dma_start3A_177 = arith.constant 0 : i32
          %dma_start3A_178 = tpu.memref_slice %arg10[%dma_start3A, %scan3A_93, %dma_start3A_177] : memref<4x128x10000xf32, #tpu.memory_space<vmem>> -> memref<1x1x10000xf32, #tpu.memory_space<vmem>>
          %dma_start3A_179 = tpu.memref_squeeze %dma_start3A_178 : memref<1x1x10000xf32, #tpu.memory_space<vmem>> -> memref<10000xf32, #tpu.memory_space<vmem>>
          %dma_start3A_180 = arith.constant 0 : i32
          %dma_start3A_181 = tpu.memref_slice %arg3[%get3A_173, %dma_start3A_180] : memref<10000x10000xf32, #tpu.memory_space<hbm>> -> memref<1x10000xf32, #tpu.memory_space<hbm>>
          %dma_start3A_182 = tpu.memref_squeeze %dma_start3A_181 : memref<1x10000xf32, #tpu.memory_space<hbm>> -> memref<10000xf32, #tpu.memory_space<hbm>>
          tpu.enqueue_dma source(%dma_start3A_182 : memref<10000xf32, #tpu.memory_space<hbm>>) target(%dma_start3A_179 : memref<10000xf32, #tpu.memory_space<vmem>>) target_semaphore(%dma_start3A_176 : memref<!tpu.dma_semaphore, #tpu.memory_space<semaphore_mem>>)
        } else {
        }
        %scan3A_98 = arith.constant 4 : i32
        %scan3A_99 = arith.addi %scan3A_75, %scan3A_98 : i32
        %lt3A_100 = arith.cmpi slt, %scan3A_99, %get3A_45 : i32
        %convert_element_type3A_101 = arith.extui %lt3A_100 : i1 to i32
        %cond3A_102 = arith.constant 0 : i32
        %cond3A_103 = arith.cmpi ne, %convert_element_type3A_101, %cond3A_102 : i32
        scf.if %cond3A_103 {
          %add3A_170 = arith.constant 128 : i32
          %add3A_171 = arith.addi %add3A_170, %scan3A_99 : i32
          %get3A_172 = arith.index_cast %add3A_171 : i32 to index
          %get3A_173 = memref.load %arg1[%get3A_172] : memref<4096xi32, #tpu.memory_space<smem>>
          %dma_start3A = arith.constant 1 : i32
          %dma_start3A_174 = arith.constant 1 : i32
          %dma_start3A_175 = tpu.memref_slice %arg11[%dma_start3A_174] : memref<4x!tpu.dma_semaphore, #tpu.memory_space<semaphore_mem>> -> memref<1x!tpu.dma_semaphore, #tpu.memory_space<semaphore_mem>>
          %dma_start3A_176 = tpu.memref_squeeze %dma_start3A_175 : memref<1x!tpu.dma_semaphore, #tpu.memory_space<semaphore_mem>> -> memref<!tpu.dma_semaphore, #tpu.memory_space<semaphore_mem>>
          %dma_start3A_177 = arith.constant 0 : i32
          %dma_start3A_178 = tpu.memref_slice %arg10[%dma_start3A, %scan3A_99, %dma_start3A_177] : memref<4x128x10000xf32, #tpu.memory_space<vmem>> -> memref<1x1x10000xf32, #tpu.memory_space<vmem>>
          %dma_start3A_179 = tpu.memref_squeeze %dma_start3A_178 : memref<1x1x10000xf32, #tpu.memory_space<vmem>> -> memref<10000xf32, #tpu.memory_space<vmem>>
          %dma_start3A_180 = arith.constant 0 : i32
          %dma_start3A_181 = tpu.memref_slice %arg3[%get3A_173, %dma_start3A_180] : memref<10000x10000xf32, #tpu.memory_space<hbm>> -> memref<1x10000xf32, #tpu.memory_space<hbm>>
          %dma_start3A_182 = tpu.memref_squeeze %dma_start3A_181 : memref<1x10000xf32, #tpu.memory_space<hbm>> -> memref<10000xf32, #tpu.memory_space<hbm>>
          tpu.enqueue_dma source(%dma_start3A_182 : memref<10000xf32, #tpu.memory_space<hbm>>) target(%dma_start3A_179 : memref<10000xf32, #tpu.memory_space<vmem>>) target_semaphore(%dma_start3A_176 : memref<!tpu.dma_semaphore, #tpu.memory_space<semaphore_mem>>)
        } else {
        }
        %scan3A_104 = arith.constant 5 : i32
        %scan3A_105 = arith.addi %scan3A_75, %scan3A_104 : i32
        %lt3A_106 = arith.cmpi slt, %scan3A_105, %get3A_45 : i32
        %convert_element_type3A_107 = arith.extui %lt3A_106 : i1 to i32
        %cond3A_108 = arith.constant 0 : i32
        %cond3A_109 = arith.cmpi ne, %convert_element_type3A_107, %cond3A_108 : i32
        scf.if %cond3A_109 {
          %add3A_170 = arith.constant 128 : i32
          %add3A_171 = arith.addi %add3A_170, %scan3A_105 : i32
          %get3A_172 = arith.index_cast %add3A_171 : i32 to index
          %get3A_173 = memref.load %arg1[%get3A_172] : memref<4096xi32, #tpu.memory_space<smem>>
          %dma_start3A = arith.constant 1 : i32
          %dma_start3A_174 = arith.constant 1 : i32
          %dma_start3A_175 = tpu.memref_slice %arg11[%dma_start3A_174] : memref<4x!tpu.dma_semaphore, #tpu.memory_space<semaphore_mem>> -> memref<1x!tpu.dma_semaphore, #tpu.memory_space<semaphore_mem>>
          %dma_start3A_176 = tpu.memref_squeeze %dma_start3A_175 : memref<1x!tpu.dma_semaphore, #tpu.memory_space<semaphore_mem>> -> memref<!tpu.dma_semaphore, #tpu.memory_space<semaphore_mem>>
          %dma_start3A_177 = arith.constant 0 : i32
          %dma_start3A_178 = tpu.memref_slice %arg10[%dma_start3A, %scan3A_105, %dma_start3A_177] : memref<4x128x10000xf32, #tpu.memory_space<vmem>> -> memref<1x1x10000xf32, #tpu.memory_space<vmem>>
          %dma_start3A_179 = tpu.memref_squeeze %dma_start3A_178 : memref<1x1x10000xf32, #tpu.memory_space<vmem>> -> memref<10000xf32, #tpu.memory_space<vmem>>
          %dma_start3A_180 = arith.constant 0 : i32
          %dma_start3A_181 = tpu.memref_slice %arg3[%get3A_173, %dma_start3A_180] : memref<10000x10000xf32, #tpu.memory_space<hbm>> -> memref<1x10000xf32, #tpu.memory_space<hbm>>
          %dma_start3A_182 = tpu.memref_squeeze %dma_start3A_181 : memref<1x10000xf32, #tpu.memory_space<hbm>> -> memref<10000xf32, #tpu.memory_space<hbm>>
          tpu.enqueue_dma source(%dma_start3A_182 : memref<10000xf32, #tpu.memory_space<hbm>>) target(%dma_start3A_179 : memref<10000xf32, #tpu.memory_space<vmem>>) target_semaphore(%dma_start3A_176 : memref<!tpu.dma_semaphore, #tpu.memory_space<semaphore_mem>>)
        } else {
        }
        %scan3A_110 = arith.constant 6 : i32
        %scan3A_111 = arith.addi %scan3A_75, %scan3A_110 : i32
        %lt3A_112 = arith.cmpi slt, %scan3A_111, %get3A_45 : i32
        %convert_element_type3A_113 = arith.extui %lt3A_112 : i1 to i32
        %cond3A_114 = arith.constant 0 : i32
        %cond3A_115 = arith.cmpi ne, %convert_element_type3A_113, %cond3A_114 : i32
        scf.if %cond3A_115 {
          %add3A_170 = arith.constant 128 : i32
          %add3A_171 = arith.addi %add3A_170, %scan3A_111 : i32
          %get3A_172 = arith.index_cast %add3A_171 : i32 to index
          %get3A_173 = memref.load %arg1[%get3A_172] : memref<4096xi32, #tpu.memory_space<smem>>
          %dma_start3A = arith.constant 1 : i32
          %dma_start3A_174 = arith.constant 1 : i32
          %dma_start3A_175 = tpu.memref_slice %arg11[%dma_start3A_174] : memref<4x!tpu.dma_semaphore, #tpu.memory_space<semaphore_mem>> -> memref<1x!tpu.dma_semaphore, #tpu.memory_space<semaphore_mem>>
          %dma_start3A_176 = tpu.memref_squeeze %dma_start3A_175 : memref<1x!tpu.dma_semaphore, #tpu.memory_space<semaphore_mem>> -> memref<!tpu.dma_semaphore, #tpu.memory_space<semaphore_mem>>
          %dma_start3A_177 = arith.constant 0 : i32
          %dma_start3A_178 = tpu.memref_slice %arg10[%dma_start3A, %scan3A_111, %dma_start3A_177] : memref<4x128x10000xf32, #tpu.memory_space<vmem>> -> memref<1x1x10000xf32, #tpu.memory_space<vmem>>
          %dma_start3A_179 = tpu.memref_squeeze %dma_start3A_178 : memref<1x1x10000xf32, #tpu.memory_space<vmem>> -> memref<10000xf32, #tpu.memory_space<vmem>>
          %dma_start3A_180 = arith.constant 0 : i32
          %dma_start3A_181 = tpu.memref_slice %arg3[%get3A_173, %dma_start3A_180] : memref<10000x10000xf32, #tpu.memory_space<hbm>> -> memref<1x10000xf32, #tpu.memory_space<hbm>>
          %dma_start3A_182 = tpu.memref_squeeze %dma_start3A_181 : memref<1x10000xf32, #tpu.memory_space<hbm>> -> memref<10000xf32, #tpu.memory_space<hbm>>
          tpu.enqueue_dma source(%dma_start3A_182 : memref<10000xf32, #tpu.memory_space<hbm>>) target(%dma_start3A_179 : memref<10000xf32, #tpu.memory_space<vmem>>) target_semaphore(%dma_start3A_176 : memref<!tpu.dma_semaphore, #tpu.memory_space<semaphore_mem>>)
        } else {
        }
        %scan3A_116 = arith.constant 7 : i32
        %scan3A_117 = arith.addi %scan3A_75, %scan3A_116 : i32
        %lt3A_118 = arith.cmpi slt, %scan3A_117, %get3A_45 : i32
        %convert_element_type3A_119 = arith.extui %lt3A_118 : i1 to i32
        %cond3A_120 = arith.constant 0 : i32
        %cond3A_121 = arith.cmpi ne, %convert_element_type3A_119, %cond3A_120 : i32
        scf.if %cond3A_121 {
          %add3A_170 = arith.constant 128 : i32
          %add3A_171 = arith.addi %add3A_170, %scan3A_117 : i32
          %get3A_172 = arith.index_cast %add3A_171 : i32 to index
          %get3A_173 = memref.load %arg1[%get3A_172] : memref<4096xi32, #tpu.memory_space<smem>>
          %dma_start3A = arith.constant 1 : i32
          %dma_start3A_174 = arith.constant 1 : i32
          %dma_start3A_175 = tpu.memref_slice %arg11[%dma_start3A_174] : memref<4x!tpu.dma_semaphore, #tpu.memory_space<semaphore_mem>> -> memref<1x!tpu.dma_semaphore, #tpu.memory_space<semaphore_mem>>
          %dma_start3A_176 = tpu.memref_squeeze %dma_start3A_175 : memref<1x!tpu.dma_semaphore, #tpu.memory_space<semaphore_mem>> -> memref<!tpu.dma_semaphore, #tpu.memory_space<semaphore_mem>>
          %dma_start3A_177 = arith.constant 0 : i32
          %dma_start3A_178 = tpu.memref_slice %arg10[%dma_start3A, %scan3A_117, %dma_start3A_177] : memref<4x128x10000xf32, #tpu.memory_space<vmem>> -> memref<1x1x10000xf32, #tpu.memory_space<vmem>>
          %dma_start3A_179 = tpu.memref_squeeze %dma_start3A_178 : memref<1x1x10000xf32, #tpu.memory_space<vmem>> -> memref<10000xf32, #tpu.memory_space<vmem>>
          %dma_start3A_180 = arith.constant 0 : i32
          %dma_start3A_181 = tpu.memref_slice %arg3[%get3A_173, %dma_start3A_180] : memref<10000x10000xf32, #tpu.memory_space<hbm>> -> memref<1x10000xf32, #tpu.memory_space<hbm>>
          %dma_start3A_182 = tpu.memref_squeeze %dma_start3A_181 : memref<1x10000xf32, #tpu.memory_space<hbm>> -> memref<10000xf32, #tpu.memory_space<hbm>>
          tpu.enqueue_dma source(%dma_start3A_182 : memref<10000xf32, #tpu.memory_space<hbm>>) target(%dma_start3A_179 : memref<10000xf32, #tpu.memory_space<vmem>>) target_semaphore(%dma_start3A_176 : memref<!tpu.dma_semaphore, #tpu.memory_space<semaphore_mem>>)
        } else {
        }
        %scan3A_122 = arith.constant 8 : i32
        %scan3A_123 = arith.addi %scan3A_75, %scan3A_122 : i32
        %lt3A_124 = arith.cmpi slt, %scan3A_123, %get3A_45 : i32
        %convert_element_type3A_125 = arith.extui %lt3A_124 : i1 to i32
        %cond3A_126 = arith.constant 0 : i32
        %cond3A_127 = arith.cmpi ne, %convert_element_type3A_125, %cond3A_126 : i32
        scf.if %cond3A_127 {
          %add3A_170 = arith.constant 128 : i32
          %add3A_171 = arith.addi %add3A_170, %scan3A_123 : i32
          %get3A_172 = arith.index_cast %add3A_171 : i32 to index
          %get3A_173 = memref.load %arg1[%get3A_172] : memref<4096xi32, #tpu.memory_space<smem>>
          %dma_start3A = arith.constant 1 : i32
          %dma_start3A_174 = arith.constant 1 : i32
          %dma_start3A_175 = tpu.memref_slice %arg11[%dma_start3A_174] : memref<4x!tpu.dma_semaphore, #tpu.memory_space<semaphore_mem>> -> memref<1x!tpu.dma_semaphore, #tpu.memory_space<semaphore_mem>>
          %dma_start3A_176 = tpu.memref_squeeze %dma_start3A_175 : memref<1x!tpu.dma_semaphore, #tpu.memory_space<semaphore_mem>> -> memref<!tpu.dma_semaphore, #tpu.memory_space<semaphore_mem>>
          %dma_start3A_177 = arith.constant 0 : i32
          %dma_start3A_178 = tpu.memref_slice %arg10[%dma_start3A, %scan3A_123, %dma_start3A_177] : memref<4x128x10000xf32, #tpu.memory_space<vmem>> -> memref<1x1x10000xf32, #tpu.memory_space<vmem>>
          %dma_start3A_179 = tpu.memref_squeeze %dma_start3A_178 : memref<1x1x10000xf32, #tpu.memory_space<vmem>> -> memref<10000xf32, #tpu.memory_space<vmem>>
          %dma_start3A_180 = arith.constant 0 : i32
          %dma_start3A_181 = tpu.memref_slice %arg3[%get3A_173, %dma_start3A_180] : memref<10000x10000xf32, #tpu.memory_space<hbm>> -> memref<1x10000xf32, #tpu.memory_space<hbm>>
          %dma_start3A_182 = tpu.memref_squeeze %dma_start3A_181 : memref<1x10000xf32, #tpu.memory_space<hbm>> -> memref<10000xf32, #tpu.memory_space<hbm>>
          tpu.enqueue_dma source(%dma_start3A_182 : memref<10000xf32, #tpu.memory_space<hbm>>) target(%dma_start3A_179 : memref<10000xf32, #tpu.memory_space<vmem>>) target_semaphore(%dma_start3A_176 : memref<!tpu.dma_semaphore, #tpu.memory_space<semaphore_mem>>)
        } else {
        }
        %scan3A_128 = arith.constant 9 : i32
        %scan3A_129 = arith.addi %scan3A_75, %scan3A_128 : i32
        %lt3A_130 = arith.cmpi slt, %scan3A_129, %get3A_45 : i32
        %convert_element_type3A_131 = arith.extui %lt3A_130 : i1 to i32
        %cond3A_132 = arith.constant 0 : i32
        %cond3A_133 = arith.cmpi ne, %convert_element_type3A_131, %cond3A_132 : i32
        scf.if %cond3A_133 {
          %add3A_170 = arith.constant 128 : i32
          %add3A_171 = arith.addi %add3A_170, %scan3A_129 : i32
          %get3A_172 = arith.index_cast %add3A_171 : i32 to index
          %get3A_173 = memref.load %arg1[%get3A_172] : memref<4096xi32, #tpu.memory_space<smem>>
          %dma_start3A = arith.constant 1 : i32
          %dma_start3A_174 = arith.constant 1 : i32
          %dma_start3A_175 = tpu.memref_slice %arg11[%dma_start3A_174] : memref<4x!tpu.dma_semaphore, #tpu.memory_space<semaphore_mem>> -> memref<1x!tpu.dma_semaphore, #tpu.memory_space<semaphore_mem>>
          %dma_start3A_176 = tpu.memref_squeeze %dma_start3A_175 : memref<1x!tpu.dma_semaphore, #tpu.memory_space<semaphore_mem>> -> memref<!tpu.dma_semaphore, #tpu.memory_space<semaphore_mem>>
          %dma_start3A_177 = arith.constant 0 : i32
          %dma_start3A_178 = tpu.memref_slice %arg10[%dma_start3A, %scan3A_129, %dma_start3A_177] : memref<4x128x10000xf32, #tpu.memory_space<vmem>> -> memref<1x1x10000xf32, #tpu.memory_space<vmem>>
          %dma_start3A_179 = tpu.memref_squeeze %dma_start3A_178 : memref<1x1x10000xf32, #tpu.memory_space<vmem>> -> memref<10000xf32, #tpu.memory_space<vmem>>
          %dma_start3A_180 = arith.constant 0 : i32
          %dma_start3A_181 = tpu.memref_slice %arg3[%get3A_173, %dma_start3A_180] : memref<10000x10000xf32, #tpu.memory_space<hbm>> -> memref<1x10000xf32, #tpu.memory_space<hbm>>
          %dma_start3A_182 = tpu.memref_squeeze %dma_start3A_181 : memref<1x10000xf32, #tpu.memory_space<hbm>> -> memref<10000xf32, #tpu.memory_space<hbm>>
          tpu.enqueue_dma source(%dma_start3A_182 : memref<10000xf32, #tpu.memory_space<hbm>>) target(%dma_start3A_179 : memref<10000xf32, #tpu.memory_space<vmem>>) target_semaphore(%dma_start3A_176 : memref<!tpu.dma_semaphore, #tpu.memory_space<semaphore_mem>>)
        } else {
        }
        %scan3A_134 = arith.constant 10 : i32
        %scan3A_135 = arith.addi %scan3A_75, %scan3A_134 : i32
        %lt3A_136 = arith.cmpi slt, %scan3A_135, %get3A_45 : i32
        %convert_element_type3A_137 = arith.extui %lt3A_136 : i1 to i32
        %cond3A_138 = arith.constant 0 : i32
        %cond3A_139 = arith.cmpi ne, %convert_element_type3A_137, %cond3A_138 : i32
        scf.if %cond3A_139 {
          %add3A_170 = arith.constant 128 : i32
          %add3A_171 = arith.addi %add3A_170, %scan3A_135 : i32
          %get3A_172 = arith.index_cast %add3A_171 : i32 to index
          %get3A_173 = memref.load %arg1[%get3A_172] : memref<4096xi32, #tpu.memory_space<smem>>
          %dma_start3A = arith.constant 1 : i32
          %dma_start3A_174 = arith.constant 1 : i32
          %dma_start3A_175 = tpu.memref_slice %arg11[%dma_start3A_174] : memref<4x!tpu.dma_semaphore, #tpu.memory_space<semaphore_mem>> -> memref<1x!tpu.dma_semaphore, #tpu.memory_space<semaphore_mem>>
          %dma_start3A_176 = tpu.memref_squeeze %dma_start3A_175 : memref<1x!tpu.dma_semaphore, #tpu.memory_space<semaphore_mem>> -> memref<!tpu.dma_semaphore, #tpu.memory_space<semaphore_mem>>
          %dma_start3A_177 = arith.constant 0 : i32
          %dma_start3A_178 = tpu.memref_slice %arg10[%dma_start3A, %scan3A_135, %dma_start3A_177] : memref<4x128x10000xf32, #tpu.memory_space<vmem>> -> memref<1x1x10000xf32, #tpu.memory_space<vmem>>
          %dma_start3A_179 = tpu.memref_squeeze %dma_start3A_178 : memref<1x1x10000xf32, #tpu.memory_space<vmem>> -> memref<10000xf32, #tpu.memory_space<vmem>>
          %dma_start3A_180 = arith.constant 0 : i32
          %dma_start3A_181 = tpu.memref_slice %arg3[%get3A_173, %dma_start3A_180] : memref<10000x10000xf32, #tpu.memory_space<hbm>> -> memref<1x10000xf32, #tpu.memory_space<hbm>>
          %dma_start3A_182 = tpu.memref_squeeze %dma_start3A_181 : memref<1x10000xf32, #tpu.memory_space<hbm>> -> memref<10000xf32, #tpu.memory_space<hbm>>
          tpu.enqueue_dma source(%dma_start3A_182 : memref<10000xf32, #tpu.memory_space<hbm>>) target(%dma_start3A_179 : memref<10000xf32, #tpu.memory_space<vmem>>) target_semaphore(%dma_start3A_176 : memref<!tpu.dma_semaphore, #tpu.memory_space<semaphore_mem>>)
        } else {
        }
        %scan3A_140 = arith.constant 11 : i32
        %scan3A_141 = arith.addi %scan3A_75, %scan3A_140 : i32
        %lt3A_142 = arith.cmpi slt, %scan3A_141, %get3A_45 : i32
        %convert_element_type3A_143 = arith.extui %lt3A_142 : i1 to i32
        %cond3A_144 = arith.constant 0 : i32
        %cond3A_145 = arith.cmpi ne, %convert_element_type3A_143, %cond3A_144 : i32
        scf.if %cond3A_145 {
          %add3A_170 = arith.constant 128 : i32
          %add3A_171 = arith.addi %add3A_170, %scan3A_141 : i32
          %get3A_172 = arith.index_cast %add3A_171 : i32 to index
          %get3A_173 = memref.load %arg1[%get3A_172] : memref<4096xi32, #tpu.memory_space<smem>>
          %dma_start3A = arith.constant 1 : i32
          %dma_start3A_174 = arith.constant 1 : i32
          %dma_start3A_175 = tpu.memref_slice %arg11[%dma_start3A_174] : memref<4x!tpu.dma_semaphore, #tpu.memory_space<semaphore_mem>> -> memref<1x!tpu.dma_semaphore, #tpu.memory_space<semaphore_mem>>
          %dma_start3A_176 = tpu.memref_squeeze %dma_start3A_175 : memref<1x!tpu.dma_semaphore, #tpu.memory_space<semaphore_mem>> -> memref<!tpu.dma_semaphore, #tpu.memory_space<semaphore_mem>>
          %dma_start3A_177 = arith.constant 0 : i32
          %dma_start3A_178 = tpu.memref_slice %arg10[%dma_start3A, %scan3A_141, %dma_start3A_177] : memref<4x128x10000xf32, #tpu.memory_space<vmem>> -> memref<1x1x10000xf32, #tpu.memory_space<vmem>>
          %dma_start3A_179 = tpu.memref_squeeze %dma_start3A_178 : memref<1x1x10000xf32, #tpu.memory_space<vmem>> -> memref<10000xf32, #tpu.memory_space<vmem>>
          %dma_start3A_180 = arith.constant 0 : i32
          %dma_start3A_181 = tpu.memref_slice %arg3[%get3A_173, %dma_start3A_180] : memref<10000x10000xf32, #tpu.memory_space<hbm>> -> memref<1x10000xf32, #tpu.memory_space<hbm>>
          %dma_start3A_182 = tpu.memref_squeeze %dma_start3A_181 : memref<1x10000xf32, #tpu.memory_space<hbm>> -> memref<10000xf32, #tpu.memory_space<hbm>>
          tpu.enqueue_dma source(%dma_start3A_182 : memref<10000xf32, #tpu.memory_space<hbm>>) target(%dma_start3A_179 : memref<10000xf32, #tpu.memory_space<vmem>>) target_semaphore(%dma_start3A_176 : memref<!tpu.dma_semaphore, #tpu.memory_space<semaphore_mem>>)
        } else {
        }
        %scan3A_146 = arith.constant 12 : i32
        %scan3A_147 = arith.addi %scan3A_75, %scan3A_146 : i32
        %lt3A_148 = arith.cmpi slt, %scan3A_147, %get3A_45 : i32
        %convert_element_type3A_149 = arith.extui %lt3A_148 : i1 to i32
        %cond3A_150 = arith.constant 0 : i32
        %cond3A_151 = arith.cmpi ne, %convert_element_type3A_149, %cond3A_150 : i32
        scf.if %cond3A_151 {
          %add3A_170 = arith.constant 128 : i32
          %add3A_171 = arith.addi %add3A_170, %scan3A_147 : i32
          %get3A_172 = arith.index_cast %add3A_171 : i32 to index
          %get3A_173 = memref.load %arg1[%get3A_172] : memref<4096xi32, #tpu.memory_space<smem>>
          %dma_start3A = arith.constant 1 : i32
          %dma_start3A_174 = arith.constant 1 : i32
          %dma_start3A_175 = tpu.memref_slice %arg11[%dma_start3A_174] : memref<4x!tpu.dma_semaphore, #tpu.memory_space<semaphore_mem>> -> memref<1x!tpu.dma_semaphore, #tpu.memory_space<semaphore_mem>>
          %dma_start3A_176 = tpu.memref_squeeze %dma_start3A_175 : memref<1x!tpu.dma_semaphore, #tpu.memory_space<semaphore_mem>> -> memref<!tpu.dma_semaphore, #tpu.memory_space<semaphore_mem>>
          %dma_start3A_177 = arith.constant 0 : i32
          %dma_start3A_178 = tpu.memref_slice %arg10[%dma_start3A, %scan3A_147, %dma_start3A_177] : memref<4x128x10000xf32, #tpu.memory_space<vmem>> -> memref<1x1x10000xf32, #tpu.memory_space<vmem>>
          %dma_start3A_179 = tpu.memref_squeeze %dma_start3A_178 : memref<1x1x10000xf32, #tpu.memory_space<vmem>> -> memref<10000xf32, #tpu.memory_space<vmem>>
          %dma_start3A_180 = arith.constant 0 : i32
          %dma_start3A_181 = tpu.memref_slice %arg3[%get3A_173, %dma_start3A_180] : memref<10000x10000xf32, #tpu.memory_space<hbm>> -> memref<1x10000xf32, #tpu.memory_space<hbm>>
          %dma_start3A_182 = tpu.memref_squeeze %dma_start3A_181 : memref<1x10000xf32, #tpu.memory_space<hbm>> -> memref<10000xf32, #tpu.memory_space<hbm>>
          tpu.enqueue_dma source(%dma_start3A_182 : memref<10000xf32, #tpu.memory_space<hbm>>) target(%dma_start3A_179 : memref<10000xf32, #tpu.memory_space<vmem>>) target_semaphore(%dma_start3A_176 : memref<!tpu.dma_semaphore, #tpu.memory_space<semaphore_mem>>)
        } else {
        }
        %scan3A_152 = arith.constant 13 : i32
        %scan3A_153 = arith.addi %scan3A_75, %scan3A_152 : i32
        %lt3A_154 = arith.cmpi slt, %scan3A_153, %get3A_45 : i32
        %convert_element_type3A_155 = arith.extui %lt3A_154 : i1 to i32
        %cond3A_156 = arith.constant 0 : i32
        %cond3A_157 = arith.cmpi ne, %convert_element_type3A_155, %cond3A_156 : i32
        scf.if %cond3A_157 {
          %add3A_170 = arith.constant 128 : i32
          %add3A_171 = arith.addi %add3A_170, %scan3A_153 : i32
          %get3A_172 = arith.index_cast %add3A_171 : i32 to index
          %get3A_173 = memref.load %arg1[%get3A_172] : memref<4096xi32, #tpu.memory_space<smem>>
          %dma_start3A = arith.constant 1 : i32
          %dma_start3A_174 = arith.constant 1 : i32
          %dma_start3A_175 = tpu.memref_slice %arg11[%dma_start3A_174] : memref<4x!tpu.dma_semaphore, #tpu.memory_space<semaphore_mem>> -> memref<1x!tpu.dma_semaphore, #tpu.memory_space<semaphore_mem>>
          %dma_start3A_176 = tpu.memref_squeeze %dma_start3A_175 : memref<1x!tpu.dma_semaphore, #tpu.memory_space<semaphore_mem>> -> memref<!tpu.dma_semaphore, #tpu.memory_space<semaphore_mem>>
          %dma_start3A_177 = arith.constant 0 : i32
          %dma_start3A_178 = tpu.memref_slice %arg10[%dma_start3A, %scan3A_153, %dma_start3A_177] : memref<4x128x10000xf32, #tpu.memory_space<vmem>> -> memref<1x1x10000xf32, #tpu.memory_space<vmem>>
          %dma_start3A_179 = tpu.memref_squeeze %dma_start3A_178 : memref<1x1x10000xf32, #tpu.memory_space<vmem>> -> memref<10000xf32, #tpu.memory_space<vmem>>
          %dma_start3A_180 = arith.constant 0 : i32
          %dma_start3A_181 = tpu.memref_slice %arg3[%get3A_173, %dma_start3A_180] : memref<10000x10000xf32, #tpu.memory_space<hbm>> -> memref<1x10000xf32, #tpu.memory_space<hbm>>
          %dma_start3A_182 = tpu.memref_squeeze %dma_start3A_181 : memref<1x10000xf32, #tpu.memory_space<hbm>> -> memref<10000xf32, #tpu.memory_space<hbm>>
          tpu.enqueue_dma source(%dma_start3A_182 : memref<10000xf32, #tpu.memory_space<hbm>>) target(%dma_start3A_179 : memref<10000xf32, #tpu.memory_space<vmem>>) target_semaphore(%dma_start3A_176 : memref<!tpu.dma_semaphore, #tpu.memory_space<semaphore_mem>>)
        } else {
        }
        %scan3A_158 = arith.constant 14 : i32
        %scan3A_159 = arith.addi %scan3A_75, %scan3A_158 : i32
        %lt3A_160 = arith.cmpi slt, %scan3A_159, %get3A_45 : i32
        %convert_element_type3A_161 = arith.extui %lt3A_160 : i1 to i32
        %cond3A_162 = arith.constant 0 : i32
        %cond3A_163 = arith.cmpi ne, %convert_element_type3A_161, %cond3A_162 : i32
        scf.if %cond3A_163 {
          %add3A_170 = arith.constant 128 : i32
          %add3A_171 = arith.addi %add3A_170, %scan3A_159 : i32
          %get3A_172 = arith.index_cast %add3A_171 : i32 to index
          %get3A_173 = memref.load %arg1[%get3A_172] : memref<4096xi32, #tpu.memory_space<smem>>
          %dma_start3A = arith.constant 1 : i32
          %dma_start3A_174 = arith.constant 1 : i32
          %dma_start3A_175 = tpu.memref_slice %arg11[%dma_start3A_174] : memref<4x!tpu.dma_semaphore, #tpu.memory_space<semaphore_mem>> -> memref<1x!tpu.dma_semaphore, #tpu.memory_space<semaphore_mem>>
          %dma_start3A_176 = tpu.memref_squeeze %dma_start3A_175 : memref<1x!tpu.dma_semaphore, #tpu.memory_space<semaphore_mem>> -> memref<!tpu.dma_semaphore, #tpu.memory_space<semaphore_mem>>
          %dma_start3A_177 = arith.constant 0 : i32
          %dma_start3A_178 = tpu.memref_slice %arg10[%dma_start3A, %scan3A_159, %dma_start3A_177] : memref<4x128x10000xf32, #tpu.memory_space<vmem>> -> memref<1x1x10000xf32, #tpu.memory_space<vmem>>
          %dma_start3A_179 = tpu.memref_squeeze %dma_start3A_178 : memref<1x1x10000xf32, #tpu.memory_space<vmem>> -> memref<10000xf32, #tpu.memory_space<vmem>>
          %dma_start3A_180 = arith.constant 0 : i32
          %dma_start3A_181 = tpu.memref_slice %arg3[%get3A_173, %dma_start3A_180] : memref<10000x10000xf32, #tpu.memory_space<hbm>> -> memref<1x10000xf32, #tpu.memory_space<hbm>>
          %dma_start3A_182 = tpu.memref_squeeze %dma_start3A_181 : memref<1x10000xf32, #tpu.memory_space<hbm>> -> memref<10000xf32, #tpu.memory_space<hbm>>
          tpu.enqueue_dma source(%dma_start3A_182 : memref<10000xf32, #tpu.memory_space<hbm>>) target(%dma_start3A_179 : memref<10000xf32, #tpu.memory_space<vmem>>) target_semaphore(%dma_start3A_176 : memref<!tpu.dma_semaphore, #tpu.memory_space<semaphore_mem>>)
        } else {
        }
        %scan3A_164 = arith.constant 15 : i32
        %scan3A_165 = arith.addi %scan3A_75, %scan3A_164 : i32
        %lt3A_166 = arith.cmpi slt, %scan3A_165, %get3A_45 : i32
        %convert_element_type3A_167 = arith.extui %lt3A_166 : i1 to i32
        %cond3A_168 = arith.constant 0 : i32
        %cond3A_169 = arith.cmpi ne, %convert_element_type3A_167, %cond3A_168 : i32
        scf.if %cond3A_169 {
          %add3A_170 = arith.constant 128 : i32
          %add3A_171 = arith.addi %add3A_170, %scan3A_165 : i32
          %get3A_172 = arith.index_cast %add3A_171 : i32 to index
          %get3A_173 = memref.load %arg1[%get3A_172] : memref<4096xi32, #tpu.memory_space<smem>>
          %dma_start3A = arith.constant 1 : i32
          %dma_start3A_174 = arith.constant 1 : i32
          %dma_start3A_175 = tpu.memref_slice %arg11[%dma_start3A_174] : memref<4x!tpu.dma_semaphore, #tpu.memory_space<semaphore_mem>> -> memref<1x!tpu.dma_semaphore, #tpu.memory_space<semaphore_mem>>
          %dma_start3A_176 = tpu.memref_squeeze %dma_start3A_175 : memref<1x!tpu.dma_semaphore, #tpu.memory_space<semaphore_mem>> -> memref<!tpu.dma_semaphore, #tpu.memory_space<semaphore_mem>>
          %dma_start3A_177 = arith.constant 0 : i32
          %dma_start3A_178 = tpu.memref_slice %arg10[%dma_start3A, %scan3A_165, %dma_start3A_177] : memref<4x128x10000xf32, #tpu.memory_space<vmem>> -> memref<1x1x10000xf32, #tpu.memory_space<vmem>>
          %dma_start3A_179 = tpu.memref_squeeze %dma_start3A_178 : memref<1x1x10000xf32, #tpu.memory_space<vmem>> -> memref<10000xf32, #tpu.memory_space<vmem>>
          %dma_start3A_180 = arith.constant 0 : i32
          %dma_start3A_181 = tpu.memref_slice %arg3[%get3A_173, %dma_start3A_180] : memref<10000x10000xf32, #tpu.memory_space<hbm>> -> memref<1x10000xf32, #tpu.memory_space<hbm>>
          %dma_start3A_182 = tpu.memref_squeeze %dma_start3A_181 : memref<1x10000xf32, #tpu.memory_space<hbm>> -> memref<10000xf32, #tpu.memory_space<hbm>>
          tpu.enqueue_dma source(%dma_start3A_182 : memref<10000xf32, #tpu.memory_space<hbm>>) target(%dma_start3A_179 : memref<10000xf32, #tpu.memory_space<vmem>>) target_semaphore(%dma_start3A_176 : memref<!tpu.dma_semaphore, #tpu.memory_space<semaphore_mem>>)
        } else {
        }
      }
      %scan3A_50 = arith.constant 128 : i32
      %get3A_51 = arith.constant 2 : index
      %get3A_52 = memref.load %arg2[%get3A_51] : memref<32xi32, #tpu.memory_space<smem>>
      %scan3A_53 = arith.constant 0 : i32
      %scan3A_54 = arith.constant 128 : i32
      %scan3A_55 = arith.addi %scan3A_53, %scan3A_54 : i32
      %scan3A_56 = arith.constant 16 : i32
      scf.for %scan3A_75 = %scan3A_53 to %scan3A_55 step %scan3A_56  : i32 {
        %lt3A_76 = arith.cmpi slt, %scan3A_75, %get3A_52 : i32
        %convert_element_type3A_77 = arith.extui %lt3A_76 : i1 to i32
        %cond3A_78 = arith.constant 0 : i32
        %cond3A_79 = arith.cmpi ne, %convert_element_type3A_77, %cond3A_78 : i32
        scf.if %cond3A_79 {
          %add3A_170 = arith.constant 256 : i32
          %add3A_171 = arith.addi %add3A_170, %scan3A_75 : i32
          %get3A_172 = arith.index_cast %add3A_171 : i32 to index
          %get3A_173 = memref.load %arg1[%get3A_172] : memref<4096xi32, #tpu.memory_space<smem>>
          %dma_start3A = arith.constant 2 : i32
          %dma_start3A_174 = arith.constant 2 : i32
          %dma_start3A_175 = tpu.memref_slice %arg11[%dma_start3A_174] : memref<4x!tpu.dma_semaphore, #tpu.memory_space<semaphore_mem>> -> memref<1x!tpu.dma_semaphore, #tpu.memory_space<semaphore_mem>>
          %dma_start3A_176 = tpu.memref_squeeze %dma_start3A_175 : memref<1x!tpu.dma_semaphore, #tpu.memory_space<semaphore_mem>> -> memref<!tpu.dma_semaphore, #tpu.memory_space<semaphore_mem>>
          %dma_start3A_177 = arith.constant 0 : i32
          %dma_start3A_178 = tpu.memref_slice %arg10[%dma_start3A, %scan3A_75, %dma_start3A_177] : memref<4x128x10000xf32, #tpu.memory_space<vmem>> -> memref<1x1x10000xf32, #tpu.memory_space<vmem>>
          %dma_start3A_179 = tpu.memref_squeeze %dma_start3A_178 : memref<1x1x10000xf32, #tpu.memory_space<vmem>> -> memref<10000xf32, #tpu.memory_space<vmem>>
          %dma_start3A_180 = arith.constant 0 : i32
          %dma_start3A_181 = tpu.memref_slice %arg3[%get3A_173, %dma_start3A_180] : memref<10000x10000xf32, #tpu.memory_space<hbm>> -> memref<1x10000xf32, #tpu.memory_space<hbm>>
          %dma_start3A_182 = tpu.memref_squeeze %dma_start3A_181 : memref<1x10000xf32, #tpu.memory_space<hbm>> -> memref<10000xf32, #tpu.memory_space<hbm>>
          tpu.enqueue_dma source(%dma_start3A_182 : memref<10000xf32, #tpu.memory_space<hbm>>) target(%dma_start3A_179 : memref<10000xf32, #tpu.memory_space<vmem>>) target_semaphore(%dma_start3A_176 : memref<!tpu.dma_semaphore, #tpu.memory_space<semaphore_mem>>)
        } else {
        }
        %scan3A_80 = arith.constant 1 : i32
        %scan3A_81 = arith.addi %scan3A_75, %scan3A_80 : i32
        %lt3A_82 = arith.cmpi slt, %scan3A_81, %get3A_52 : i32
        %convert_element_type3A_83 = arith.extui %lt3A_82 : i1 to i32
        %cond3A_84 = arith.constant 0 : i32
        %cond3A_85 = arith.cmpi ne, %convert_element_type3A_83, %cond3A_84 : i32
        scf.if %cond3A_85 {
          %add3A_170 = arith.constant 256 : i32
          %add3A_171 = arith.addi %add3A_170, %scan3A_81 : i32
          %get3A_172 = arith.index_cast %add3A_171 : i32 to index
          %get3A_173 = memref.load %arg1[%get3A_172] : memref<4096xi32, #tpu.memory_space<smem>>
          %dma_start3A = arith.constant 2 : i32
          %dma_start3A_174 = arith.constant 2 : i32
          %dma_start3A_175 = tpu.memref_slice %arg11[%dma_start3A_174] : memref<4x!tpu.dma_semaphore, #tpu.memory_space<semaphore_mem>> -> memref<1x!tpu.dma_semaphore, #tpu.memory_space<semaphore_mem>>
          %dma_start3A_176 = tpu.memref_squeeze %dma_start3A_175 : memref<1x!tpu.dma_semaphore, #tpu.memory_space<semaphore_mem>> -> memref<!tpu.dma_semaphore, #tpu.memory_space<semaphore_mem>>
          %dma_start3A_177 = arith.constant 0 : i32
          %dma_start3A_178 = tpu.memref_slice %arg10[%dma_start3A, %scan3A_81, %dma_start3A_177] : memref<4x128x10000xf32, #tpu.memory_space<vmem>> -> memref<1x1x10000xf32, #tpu.memory_space<vmem>>
          %dma_start3A_179 = tpu.memref_squeeze %dma_start3A_178 : memref<1x1x10000xf32, #tpu.memory_space<vmem>> -> memref<10000xf32, #tpu.memory_space<vmem>>
          %dma_start3A_180 = arith.constant 0 : i32
          %dma_start3A_181 = tpu.memref_slice %arg3[%get3A_173, %dma_start3A_180] : memref<10000x10000xf32, #tpu.memory_space<hbm>> -> memref<1x10000xf32, #tpu.memory_space<hbm>>
          %dma_start3A_182 = tpu.memref_squeeze %dma_start3A_181 : memref<1x10000xf32, #tpu.memory_space<hbm>> -> memref<10000xf32, #tpu.memory_space<hbm>>
          tpu.enqueue_dma source(%dma_start3A_182 : memref<10000xf32, #tpu.memory_space<hbm>>) target(%dma_start3A_179 : memref<10000xf32, #tpu.memory_space<vmem>>) target_semaphore(%dma_start3A_176 : memref<!tpu.dma_semaphore, #tpu.memory_space<semaphore_mem>>)
        } else {
        }
        %scan3A_86 = arith.constant 2 : i32
        %scan3A_87 = arith.addi %scan3A_75, %scan3A_86 : i32
        %lt3A_88 = arith.cmpi slt, %scan3A_87, %get3A_52 : i32
        %convert_element_type3A_89 = arith.extui %lt3A_88 : i1 to i32
        %cond3A_90 = arith.constant 0 : i32
        %cond3A_91 = arith.cmpi ne, %convert_element_type3A_89, %cond3A_90 : i32
        scf.if %cond3A_91 {
          %add3A_170 = arith.constant 256 : i32
          %add3A_171 = arith.addi %add3A_170, %scan3A_87 : i32
          %get3A_172 = arith.index_cast %add3A_171 : i32 to index
          %get3A_173 = memref.load %arg1[%get3A_172] : memref<4096xi32, #tpu.memory_space<smem>>
          %dma_start3A = arith.constant 2 : i32
          %dma_start3A_174 = arith.constant 2 : i32
          %dma_start3A_175 = tpu.memref_slice %arg11[%dma_start3A_174] : memref<4x!tpu.dma_semaphore, #tpu.memory_space<semaphore_mem>> -> memref<1x!tpu.dma_semaphore, #tpu.memory_space<semaphore_mem>>
          %dma_start3A_176 = tpu.memref_squeeze %dma_start3A_175 : memref<1x!tpu.dma_semaphore, #tpu.memory_space<semaphore_mem>> -> memref<!tpu.dma_semaphore, #tpu.memory_space<semaphore_mem>>
          %dma_start3A_177 = arith.constant 0 : i32
          %dma_start3A_178 = tpu.memref_slice %arg10[%dma_start3A, %scan3A_87, %dma_start3A_177] : memref<4x128x10000xf32, #tpu.memory_space<vmem>> -> memref<1x1x10000xf32, #tpu.memory_space<vmem>>
          %dma_start3A_179 = tpu.memref_squeeze %dma_start3A_178 : memref<1x1x10000xf32, #tpu.memory_space<vmem>> -> memref<10000xf32, #tpu.memory_space<vmem>>
          %dma_start3A_180 = arith.constant 0 : i32
          %dma_start3A_181 = tpu.memref_slice %arg3[%get3A_173, %dma_start3A_180] : memref<10000x10000xf32, #tpu.memory_space<hbm>> -> memref<1x10000xf32, #tpu.memory_space<hbm>>
          %dma_start3A_182 = tpu.memref_squeeze %dma_start3A_181 : memref<1x10000xf32, #tpu.memory_space<hbm>> -> memref<10000xf32, #tpu.memory_space<hbm>>
          tpu.enqueue_dma source(%dma_start3A_182 : memref<10000xf32, #tpu.memory_space<hbm>>) target(%dma_start3A_179 : memref<10000xf32, #tpu.memory_space<vmem>>) target_semaphore(%dma_start3A_176 : memref<!tpu.dma_semaphore, #tpu.memory_space<semaphore_mem>>)
        } else {
        }
        %scan3A_92 = arith.constant 3 : i32
        %scan3A_93 = arith.addi %scan3A_75, %scan3A_92 : i32
        %lt3A_94 = arith.cmpi slt, %scan3A_93, %get3A_52 : i32
        %convert_element_type3A_95 = arith.extui %lt3A_94 : i1 to i32
        %cond3A_96 = arith.constant 0 : i32
        %cond3A_97 = arith.cmpi ne, %convert_element_type3A_95, %cond3A_96 : i32
        scf.if %cond3A_97 {
          %add3A_170 = arith.constant 256 : i32
          %add3A_171 = arith.addi %add3A_170, %scan3A_93 : i32
          %get3A_172 = arith.index_cast %add3A_171 : i32 to index
          %get3A_173 = memref.load %arg1[%get3A_172] : memref<4096xi32, #tpu.memory_space<smem>>
          %dma_start3A = arith.constant 2 : i32
          %dma_start3A_174 = arith.constant 2 : i32
          %dma_start3A_175 = tpu.memref_slice %arg11[%dma_start3A_174] : memref<4x!tpu.dma_semaphore, #tpu.memory_space<semaphore_mem>> -> memref<1x!tpu.dma_semaphore, #tpu.memory_space<semaphore_mem>>
          %dma_start3A_176 = tpu.memref_squeeze %dma_start3A_175 : memref<1x!tpu.dma_semaphore, #tpu.memory_space<semaphore_mem>> -> memref<!tpu.dma_semaphore, #tpu.memory_space<semaphore_mem>>
          %dma_start3A_177 = arith.constant 0 : i32
          %dma_start3A_178 = tpu.memref_slice %arg10[%dma_start3A, %scan3A_93, %dma_start3A_177] : memref<4x128x10000xf32, #tpu.memory_space<vmem>> -> memref<1x1x10000xf32, #tpu.memory_space<vmem>>
          %dma_start3A_179 = tpu.memref_squeeze %dma_start3A_178 : memref<1x1x10000xf32, #tpu.memory_space<vmem>> -> memref<10000xf32, #tpu.memory_space<vmem>>
          %dma_start3A_180 = arith.constant 0 : i32
          %dma_start3A_181 = tpu.memref_slice %arg3[%get3A_173, %dma_start3A_180] : memref<10000x10000xf32, #tpu.memory_space<hbm>> -> memref<1x10000xf32, #tpu.memory_space<hbm>>
          %dma_start3A_182 = tpu.memref_squeeze %dma_start3A_181 : memref<1x10000xf32, #tpu.memory_space<hbm>> -> memref<10000xf32, #tpu.memory_space<hbm>>
          tpu.enqueue_dma source(%dma_start3A_182 : memref<10000xf32, #tpu.memory_space<hbm>>) target(%dma_start3A_179 : memref<10000xf32, #tpu.memory_space<vmem>>) target_semaphore(%dma_start3A_176 : memref<!tpu.dma_semaphore, #tpu.memory_space<semaphore_mem>>)
        } else {
        }
        %scan3A_98 = arith.constant 4 : i32
        %scan3A_99 = arith.addi %scan3A_75, %scan3A_98 : i32
        %lt3A_100 = arith.cmpi slt, %scan3A_99, %get3A_52 : i32
        %convert_element_type3A_101 = arith.extui %lt3A_100 : i1 to i32
        %cond3A_102 = arith.constant 0 : i32
        %cond3A_103 = arith.cmpi ne, %convert_element_type3A_101, %cond3A_102 : i32
        scf.if %cond3A_103 {
          %add3A_170 = arith.constant 256 : i32
          %add3A_171 = arith.addi %add3A_170, %scan3A_99 : i32
          %get3A_172 = arith.index_cast %add3A_171 : i32 to index
          %get3A_173 = memref.load %arg1[%get3A_172] : memref<4096xi32, #tpu.memory_space<smem>>
          %dma_start3A = arith.constant 2 : i32
          %dma_start3A_174 = arith.constant 2 : i32
          %dma_start3A_175 = tpu.memref_slice %arg11[%dma_start3A_174] : memref<4x!tpu.dma_semaphore, #tpu.memory_space<semaphore_mem>> -> memref<1x!tpu.dma_semaphore, #tpu.memory_space<semaphore_mem>>
          %dma_start3A_176 = tpu.memref_squeeze %dma_start3A_175 : memref<1x!tpu.dma_semaphore, #tpu.memory_space<semaphore_mem>> -> memref<!tpu.dma_semaphore, #tpu.memory_space<semaphore_mem>>
          %dma_start3A_177 = arith.constant 0 : i32
          %dma_start3A_178 = tpu.memref_slice %arg10[%dma_start3A, %scan3A_99, %dma_start3A_177] : memref<4x128x10000xf32, #tpu.memory_space<vmem>> -> memref<1x1x10000xf32, #tpu.memory_space<vmem>>
          %dma_start3A_179 = tpu.memref_squeeze %dma_start3A_178 : memref<1x1x10000xf32, #tpu.memory_space<vmem>> -> memref<10000xf32, #tpu.memory_space<vmem>>
          %dma_start3A_180 = arith.constant 0 : i32
          %dma_start3A_181 = tpu.memref_slice %arg3[%get3A_173, %dma_start3A_180] : memref<10000x10000xf32, #tpu.memory_space<hbm>> -> memref<1x10000xf32, #tpu.memory_space<hbm>>
          %dma_start3A_182 = tpu.memref_squeeze %dma_start3A_181 : memref<1x10000xf32, #tpu.memory_space<hbm>> -> memref<10000xf32, #tpu.memory_space<hbm>>
          tpu.enqueue_dma source(%dma_start3A_182 : memref<10000xf32, #tpu.memory_space<hbm>>) target(%dma_start3A_179 : memref<10000xf32, #tpu.memory_space<vmem>>) target_semaphore(%dma_start3A_176 : memref<!tpu.dma_semaphore, #tpu.memory_space<semaphore_mem>>)
        } else {
        }
        %scan3A_104 = arith.constant 5 : i32
        %scan3A_105 = arith.addi %scan3A_75, %scan3A_104 : i32
        %lt3A_106 = arith.cmpi slt, %scan3A_105, %get3A_52 : i32
        %convert_element_type3A_107 = arith.extui %lt3A_106 : i1 to i32
        %cond3A_108 = arith.constant 0 : i32
        %cond3A_109 = arith.cmpi ne, %convert_element_type3A_107, %cond3A_108 : i32
        scf.if %cond3A_109 {
          %add3A_170 = arith.constant 256 : i32
          %add3A_171 = arith.addi %add3A_170, %scan3A_105 : i32
          %get3A_172 = arith.index_cast %add3A_171 : i32 to index
          %get3A_173 = memref.load %arg1[%get3A_172] : memref<4096xi32, #tpu.memory_space<smem>>
          %dma_start3A = arith.constant 2 : i32
          %dma_start3A_174 = arith.constant 2 : i32
          %dma_start3A_175 = tpu.memref_slice %arg11[%dma_start3A_174] : memref<4x!tpu.dma_semaphore, #tpu.memory_space<semaphore_mem>> -> memref<1x!tpu.dma_semaphore, #tpu.memory_space<semaphore_mem>>
          %dma_start3A_176 = tpu.memref_squeeze %dma_start3A_175 : memref<1x!tpu.dma_semaphore, #tpu.memory_space<semaphore_mem>> -> memref<!tpu.dma_semaphore, #tpu.memory_space<semaphore_mem>>
          %dma_start3A_177 = arith.constant 0 : i32
          %dma_start3A_178 = tpu.memref_slice %arg10[%dma_start3A, %scan3A_105, %dma_start3A_177] : memref<4x128x10000xf32, #tpu.memory_space<vmem>> -> memref<1x1x10000xf32, #tpu.memory_space<vmem>>
          %dma_start3A_179 = tpu.memref_squeeze %dma_start3A_178 : memref<1x1x10000xf32, #tpu.memory_space<vmem>> -> memref<10000xf32, #tpu.memory_space<vmem>>
          %dma_start3A_180 = arith.constant 0 : i32
          %dma_start3A_181 = tpu.memref_slice %arg3[%get3A_173, %dma_start3A_180] : memref<10000x10000xf32, #tpu.memory_space<hbm>> -> memref<1x10000xf32, #tpu.memory_space<hbm>>
          %dma_start3A_182 = tpu.memref_squeeze %dma_start3A_181 : memref<1x10000xf32, #tpu.memory_space<hbm>> -> memref<10000xf32, #tpu.memory_space<hbm>>
          tpu.enqueue_dma source(%dma_start3A_182 : memref<10000xf32, #tpu.memory_space<hbm>>) target(%dma_start3A_179 : memref<10000xf32, #tpu.memory_space<vmem>>) target_semaphore(%dma_start3A_176 : memref<!tpu.dma_semaphore, #tpu.memory_space<semaphore_mem>>)
        } else {
        }
        %scan3A_110 = arith.constant 6 : i32
        %scan3A_111 = arith.addi %scan3A_75, %scan3A_110 : i32
        %lt3A_112 = arith.cmpi slt, %scan3A_111, %get3A_52 : i32
        %convert_element_type3A_113 = arith.extui %lt3A_112 : i1 to i32
        %cond3A_114 = arith.constant 0 : i32
        %cond3A_115 = arith.cmpi ne, %convert_element_type3A_113, %cond3A_114 : i32
        scf.if %cond3A_115 {
          %add3A_170 = arith.constant 256 : i32
          %add3A_171 = arith.addi %add3A_170, %scan3A_111 : i32
          %get3A_172 = arith.index_cast %add3A_171 : i32 to index
          %get3A_173 = memref.load %arg1[%get3A_172] : memref<4096xi32, #tpu.memory_space<smem>>
          %dma_start3A = arith.constant 2 : i32
          %dma_start3A_174 = arith.constant 2 : i32
          %dma_start3A_175 = tpu.memref_slice %arg11[%dma_start3A_174] : memref<4x!tpu.dma_semaphore, #tpu.memory_space<semaphore_mem>> -> memref<1x!tpu.dma_semaphore, #tpu.memory_space<semaphore_mem>>
          %dma_start3A_176 = tpu.memref_squeeze %dma_start3A_175 : memref<1x!tpu.dma_semaphore, #tpu.memory_space<semaphore_mem>> -> memref<!tpu.dma_semaphore, #tpu.memory_space<semaphore_mem>>
          %dma_start3A_177 = arith.constant 0 : i32
          %dma_start3A_178 = tpu.memref_slice %arg10[%dma_start3A, %scan3A_111, %dma_start3A_177] : memref<4x128x10000xf32, #tpu.memory_space<vmem>> -> memref<1x1x10000xf32, #tpu.memory_space<vmem>>
          %dma_start3A_179 = tpu.memref_squeeze %dma_start3A_178 : memref<1x1x10000xf32, #tpu.memory_space<vmem>> -> memref<10000xf32, #tpu.memory_space<vmem>>
          %dma_start3A_180 = arith.constant 0 : i32
          %dma_start3A_181 = tpu.memref_slice %arg3[%get3A_173, %dma_start3A_180] : memref<10000x10000xf32, #tpu.memory_space<hbm>> -> memref<1x10000xf32, #tpu.memory_space<hbm>>
          %dma_start3A_182 = tpu.memref_squeeze %dma_start3A_181 : memref<1x10000xf32, #tpu.memory_space<hbm>> -> memref<10000xf32, #tpu.memory_space<hbm>>
          tpu.enqueue_dma source(%dma_start3A_182 : memref<10000xf32, #tpu.memory_space<hbm>>) target(%dma_start3A_179 : memref<10000xf32, #tpu.memory_space<vmem>>) target_semaphore(%dma_start3A_176 : memref<!tpu.dma_semaphore, #tpu.memory_space<semaphore_mem>>)
        } else {
        }
        %scan3A_116 = arith.constant 7 : i32
        %scan3A_117 = arith.addi %scan3A_75, %scan3A_116 : i32
        %lt3A_118 = arith.cmpi slt, %scan3A_117, %get3A_52 : i32
        %convert_element_type3A_119 = arith.extui %lt3A_118 : i1 to i32
        %cond3A_120 = arith.constant 0 : i32
        %cond3A_121 = arith.cmpi ne, %convert_element_type3A_119, %cond3A_120 : i32
        scf.if %cond3A_121 {
          %add3A_170 = arith.constant 256 : i32
          %add3A_171 = arith.addi %add3A_170, %scan3A_117 : i32
          %get3A_172 = arith.index_cast %add3A_171 : i32 to index
          %get3A_173 = memref.load %arg1[%get3A_172] : memref<4096xi32, #tpu.memory_space<smem>>
          %dma_start3A = arith.constant 2 : i32
          %dma_start3A_174 = arith.constant 2 : i32
          %dma_start3A_175 = tpu.memref_slice %arg11[%dma_start3A_174] : memref<4x!tpu.dma_semaphore, #tpu.memory_space<semaphore_mem>> -> memref<1x!tpu.dma_semaphore, #tpu.memory_space<semaphore_mem>>
          %dma_start3A_176 = tpu.memref_squeeze %dma_start3A_175 : memref<1x!tpu.dma_semaphore, #tpu.memory_space<semaphore_mem>> -> memref<!tpu.dma_semaphore, #tpu.memory_space<semaphore_mem>>
          %dma_start3A_177 = arith.constant 0 : i32
          %dma_start3A_178 = tpu.memref_slice %arg10[%dma_start3A, %scan3A_117, %dma_start3A_177] : memref<4x128x10000xf32, #tpu.memory_space<vmem>> -> memref<1x1x10000xf32, #tpu.memory_space<vmem>>
          %dma_start3A_179 = tpu.memref_squeeze %dma_start3A_178 : memref<1x1x10000xf32, #tpu.memory_space<vmem>> -> memref<10000xf32, #tpu.memory_space<vmem>>
          %dma_start3A_180 = arith.constant 0 : i32
          %dma_start3A_181 = tpu.memref_slice %arg3[%get3A_173, %dma_start3A_180] : memref<10000x10000xf32, #tpu.memory_space<hbm>> -> memref<1x10000xf32, #tpu.memory_space<hbm>>
          %dma_start3A_182 = tpu.memref_squeeze %dma_start3A_181 : memref<1x10000xf32, #tpu.memory_space<hbm>> -> memref<10000xf32, #tpu.memory_space<hbm>>
          tpu.enqueue_dma source(%dma_start3A_182 : memref<10000xf32, #tpu.memory_space<hbm>>) target(%dma_start3A_179 : memref<10000xf32, #tpu.memory_space<vmem>>) target_semaphore(%dma_start3A_176 : memref<!tpu.dma_semaphore, #tpu.memory_space<semaphore_mem>>)
        } else {
        }
        %scan3A_122 = arith.constant 8 : i32
        %scan3A_123 = arith.addi %scan3A_75, %scan3A_122 : i32
        %lt3A_124 = arith.cmpi slt, %scan3A_123, %get3A_52 : i32
        %convert_element_type3A_125 = arith.extui %lt3A_124 : i1 to i32
        %cond3A_126 = arith.constant 0 : i32
        %cond3A_127 = arith.cmpi ne, %convert_element_type3A_125, %cond3A_126 : i32
        scf.if %cond3A_127 {
          %add3A_170 = arith.constant 256 : i32
          %add3A_171 = arith.addi %add3A_170, %scan3A_123 : i32
          %get3A_172 = arith.index_cast %add3A_171 : i32 to index
          %get3A_173 = memref.load %arg1[%get3A_172] : memref<4096xi32, #tpu.memory_space<smem>>
          %dma_start3A = arith.constant 2 : i32
          %dma_start3A_174 = arith.constant 2 : i32
          %dma_start3A_175 = tpu.memref_slice %arg11[%dma_start3A_174] : memref<4x!tpu.dma_semaphore, #tpu.memory_space<semaphore_mem>> -> memref<1x!tpu.dma_semaphore, #tpu.memory_space<semaphore_mem>>
          %dma_start3A_176 = tpu.memref_squeeze %dma_start3A_175 : memref<1x!tpu.dma_semaphore, #tpu.memory_space<semaphore_mem>> -> memref<!tpu.dma_semaphore, #tpu.memory_space<semaphore_mem>>
          %dma_start3A_177 = arith.constant 0 : i32
          %dma_start3A_178 = tpu.memref_slice %arg10[%dma_start3A, %scan3A_123, %dma_start3A_177] : memref<4x128x10000xf32, #tpu.memory_space<vmem>> -> memref<1x1x10000xf32, #tpu.memory_space<vmem>>
          %dma_start3A_179 = tpu.memref_squeeze %dma_start3A_178 : memref<1x1x10000xf32, #tpu.memory_space<vmem>> -> memref<10000xf32, #tpu.memory_space<vmem>>
          %dma_start3A_180 = arith.constant 0 : i32
          %dma_start3A_181 = tpu.memref_slice %arg3[%get3A_173, %dma_start3A_180] : memref<10000x10000xf32, #tpu.memory_space<hbm>> -> memref<1x10000xf32, #tpu.memory_space<hbm>>
          %dma_start3A_182 = tpu.memref_squeeze %dma_start3A_181 : memref<1x10000xf32, #tpu.memory_space<hbm>> -> memref<10000xf32, #tpu.memory_space<hbm>>
          tpu.enqueue_dma source(%dma_start3A_182 : memref<10000xf32, #tpu.memory_space<hbm>>) target(%dma_start3A_179 : memref<10000xf32, #tpu.memory_space<vmem>>) target_semaphore(%dma_start3A_176 : memref<!tpu.dma_semaphore, #tpu.memory_space<semaphore_mem>>)
        } else {
        }
        %scan3A_128 = arith.constant 9 : i32
        %scan3A_129 = arith.addi %scan3A_75, %scan3A_128 : i32
        %lt3A_130 = arith.cmpi slt, %scan3A_129, %get3A_52 : i32
        %convert_element_type3A_131 = arith.extui %lt3A_130 : i1 to i32
        %cond3A_132 = arith.constant 0 : i32
        %cond3A_133 = arith.cmpi ne, %convert_element_type3A_131, %cond3A_132 : i32
        scf.if %cond3A_133 {
          %add3A_170 = arith.constant 256 : i32
          %add3A_171 = arith.addi %add3A_170, %scan3A_129 : i32
          %get3A_172 = arith.index_cast %add3A_171 : i32 to index
          %get3A_173 = memref.load %arg1[%get3A_172] : memref<4096xi32, #tpu.memory_space<smem>>
          %dma_start3A = arith.constant 2 : i32
          %dma_start3A_174 = arith.constant 2 : i32
          %dma_start3A_175 = tpu.memref_slice %arg11[%dma_start3A_174] : memref<4x!tpu.dma_semaphore, #tpu.memory_space<semaphore_mem>> -> memref<1x!tpu.dma_semaphore, #tpu.memory_space<semaphore_mem>>
          %dma_start3A_176 = tpu.memref_squeeze %dma_start3A_175 : memref<1x!tpu.dma_semaphore, #tpu.memory_space<semaphore_mem>> -> memref<!tpu.dma_semaphore, #tpu.memory_space<semaphore_mem>>
          %dma_start3A_177 = arith.constant 0 : i32
          %dma_start3A_178 = tpu.memref_slice %arg10[%dma_start3A, %scan3A_129, %dma_start3A_177] : memref<4x128x10000xf32, #tpu.memory_space<vmem>> -> memref<1x1x10000xf32, #tpu.memory_space<vmem>>
          %dma_start3A_179 = tpu.memref_squeeze %dma_start3A_178 : memref<1x1x10000xf32, #tpu.memory_space<vmem>> -> memref<10000xf32, #tpu.memory_space<vmem>>
          %dma_start3A_180 = arith.constant 0 : i32
          %dma_start3A_181 = tpu.memref_slice %arg3[%get3A_173, %dma_start3A_180] : memref<10000x10000xf32, #tpu.memory_space<hbm>> -> memref<1x10000xf32, #tpu.memory_space<hbm>>
          %dma_start3A_182 = tpu.memref_squeeze %dma_start3A_181 : memref<1x10000xf32, #tpu.memory_space<hbm>> -> memref<10000xf32, #tpu.memory_space<hbm>>
          tpu.enqueue_dma source(%dma_start3A_182 : memref<10000xf32, #tpu.memory_space<hbm>>) target(%dma_start3A_179 : memref<10000xf32, #tpu.memory_space<vmem>>) target_semaphore(%dma_start3A_176 : memref<!tpu.dma_semaphore, #tpu.memory_space<semaphore_mem>>)
        } else {
        }
        %scan3A_134 = arith.constant 10 : i32
        %scan3A_135 = arith.addi %scan3A_75, %scan3A_134 : i32
        %lt3A_136 = arith.cmpi slt, %scan3A_135, %get3A_52 : i32
        %convert_element_type3A_137 = arith.extui %lt3A_136 : i1 to i32
        %cond3A_138 = arith.constant 0 : i32
        %cond3A_139 = arith.cmpi ne, %convert_element_type3A_137, %cond3A_138 : i32
        scf.if %cond3A_139 {
          %add3A_170 = arith.constant 256 : i32
          %add3A_171 = arith.addi %add3A_170, %scan3A_135 : i32
          %get3A_172 = arith.index_cast %add3A_171 : i32 to index
          %get3A_173 = memref.load %arg1[%get3A_172] : memref<4096xi32, #tpu.memory_space<smem>>
          %dma_start3A = arith.constant 2 : i32
          %dma_start3A_174 = arith.constant 2 : i32
          %dma_start3A_175 = tpu.memref_slice %arg11[%dma_start3A_174] : memref<4x!tpu.dma_semaphore, #tpu.memory_space<semaphore_mem>> -> memref<1x!tpu.dma_semaphore, #tpu.memory_space<semaphore_mem>>
          %dma_start3A_176 = tpu.memref_squeeze %dma_start3A_175 : memref<1x!tpu.dma_semaphore, #tpu.memory_space<semaphore_mem>> -> memref<!tpu.dma_semaphore, #tpu.memory_space<semaphore_mem>>
          %dma_start3A_177 = arith.constant 0 : i32
          %dma_start3A_178 = tpu.memref_slice %arg10[%dma_start3A, %scan3A_135, %dma_start3A_177] : memref<4x128x10000xf32, #tpu.memory_space<vmem>> -> memref<1x1x10000xf32, #tpu.memory_space<vmem>>
          %dma_start3A_179 = tpu.memref_squeeze %dma_start3A_178 : memref<1x1x10000xf32, #tpu.memory_space<vmem>> -> memref<10000xf32, #tpu.memory_space<vmem>>
          %dma_start3A_180 = arith.constant 0 : i32
          %dma_start3A_181 = tpu.memref_slice %arg3[%get3A_173, %dma_start3A_180] : memref<10000x10000xf32, #tpu.memory_space<hbm>> -> memref<1x10000xf32, #tpu.memory_space<hbm>>
          %dma_start3A_182 = tpu.memref_squeeze %dma_start3A_181 : memref<1x10000xf32, #tpu.memory_space<hbm>> -> memref<10000xf32, #tpu.memory_space<hbm>>
          tpu.enqueue_dma source(%dma_start3A_182 : memref<10000xf32, #tpu.memory_space<hbm>>) target(%dma_start3A_179 : memref<10000xf32, #tpu.memory_space<vmem>>) target_semaphore(%dma_start3A_176 : memref<!tpu.dma_semaphore, #tpu.memory_space<semaphore_mem>>)
        } else {
        }
        %scan3A_140 = arith.constant 11 : i32
        %scan3A_141 = arith.addi %scan3A_75, %scan3A_140 : i32
        %lt3A_142 = arith.cmpi slt, %scan3A_141, %get3A_52 : i32
        %convert_element_type3A_143 = arith.extui %lt3A_142 : i1 to i32
        %cond3A_144 = arith.constant 0 : i32
        %cond3A_145 = arith.cmpi ne, %convert_element_type3A_143, %cond3A_144 : i32
        scf.if %cond3A_145 {
          %add3A_170 = arith.constant 256 : i32
          %add3A_171 = arith.addi %add3A_170, %scan3A_141 : i32
          %get3A_172 = arith.index_cast %add3A_171 : i32 to index
          %get3A_173 = memref.load %arg1[%get3A_172] : memref<4096xi32, #tpu.memory_space<smem>>
          %dma_start3A = arith.constant 2 : i32
          %dma_start3A_174 = arith.constant 2 : i32
          %dma_start3A_175 = tpu.memref_slice %arg11[%dma_start3A_174] : memref<4x!tpu.dma_semaphore, #tpu.memory_space<semaphore_mem>> -> memref<1x!tpu.dma_semaphore, #tpu.memory_space<semaphore_mem>>
          %dma_start3A_176 = tpu.memref_squeeze %dma_start3A_175 : memref<1x!tpu.dma_semaphore, #tpu.memory_space<semaphore_mem>> -> memref<!tpu.dma_semaphore, #tpu.memory_space<semaphore_mem>>
          %dma_start3A_177 = arith.constant 0 : i32
          %dma_start3A_178 = tpu.memref_slice %arg10[%dma_start3A, %scan3A_141, %dma_start3A_177] : memref<4x128x10000xf32, #tpu.memory_space<vmem>> -> memref<1x1x10000xf32, #tpu.memory_space<vmem>>
          %dma_start3A_179 = tpu.memref_squeeze %dma_start3A_178 : memref<1x1x10000xf32, #tpu.memory_space<vmem>> -> memref<10000xf32, #tpu.memory_space<vmem>>
          %dma_start3A_180 = arith.constant 0 : i32
          %dma_start3A_181 = tpu.memref_slice %arg3[%get3A_173, %dma_start3A_180] : memref<10000x10000xf32, #tpu.memory_space<hbm>> -> memref<1x10000xf32, #tpu.memory_space<hbm>>
          %dma_start3A_182 = tpu.memref_squeeze %dma_start3A_181 : memref<1x10000xf32, #tpu.memory_space<hbm>> -> memref<10000xf32, #tpu.memory_space<hbm>>
          tpu.enqueue_dma source(%dma_start3A_182 : memref<10000xf32, #tpu.memory_space<hbm>>) target(%dma_start3A_179 : memref<10000xf32, #tpu.memory_space<vmem>>) target_semaphore(%dma_start3A_176 : memref<!tpu.dma_semaphore, #tpu.memory_space<semaphore_mem>>)
        } else {
        }
        %scan3A_146 = arith.constant 12 : i32
        %scan3A_147 = arith.addi %scan3A_75, %scan3A_146 : i32
        %lt3A_148 = arith.cmpi slt, %scan3A_147, %get3A_52 : i32
        %convert_element_type3A_149 = arith.extui %lt3A_148 : i1 to i32
        %cond3A_150 = arith.constant 0 : i32
        %cond3A_151 = arith.cmpi ne, %convert_element_type3A_149, %cond3A_150 : i32
        scf.if %cond3A_151 {
          %add3A_170 = arith.constant 256 : i32
          %add3A_171 = arith.addi %add3A_170, %scan3A_147 : i32
          %get3A_172 = arith.index_cast %add3A_171 : i32 to index
          %get3A_173 = memref.load %arg1[%get3A_172] : memref<4096xi32, #tpu.memory_space<smem>>
          %dma_start3A = arith.constant 2 : i32
          %dma_start3A_174 = arith.constant 2 : i32
          %dma_start3A_175 = tpu.memref_slice %arg11[%dma_start3A_174] : memref<4x!tpu.dma_semaphore, #tpu.memory_space<semaphore_mem>> -> memref<1x!tpu.dma_semaphore, #tpu.memory_space<semaphore_mem>>
          %dma_start3A_176 = tpu.memref_squeeze %dma_start3A_175 : memref<1x!tpu.dma_semaphore, #tpu.memory_space<semaphore_mem>> -> memref<!tpu.dma_semaphore, #tpu.memory_space<semaphore_mem>>
          %dma_start3A_177 = arith.constant 0 : i32
          %dma_start3A_178 = tpu.memref_slice %arg10[%dma_start3A, %scan3A_147, %dma_start3A_177] : memref<4x128x10000xf32, #tpu.memory_space<vmem>> -> memref<1x1x10000xf32, #tpu.memory_space<vmem>>
          %dma_start3A_179 = tpu.memref_squeeze %dma_start3A_178 : memref<1x1x10000xf32, #tpu.memory_space<vmem>> -> memref<10000xf32, #tpu.memory_space<vmem>>
          %dma_start3A_180 = arith.constant 0 : i32
          %dma_start3A_181 = tpu.memref_slice %arg3[%get3A_173, %dma_start3A_180] : memref<10000x10000xf32, #tpu.memory_space<hbm>> -> memref<1x10000xf32, #tpu.memory_space<hbm>>
          %dma_start3A_182 = tpu.memref_squeeze %dma_start3A_181 : memref<1x10000xf32, #tpu.memory_space<hbm>> -> memref<10000xf32, #tpu.memory_space<hbm>>
          tpu.enqueue_dma source(%dma_start3A_182 : memref<10000xf32, #tpu.memory_space<hbm>>) target(%dma_start3A_179 : memref<10000xf32, #tpu.memory_space<vmem>>) target_semaphore(%dma_start3A_176 : memref<!tpu.dma_semaphore, #tpu.memory_space<semaphore_mem>>)
        } else {
        }
        %scan3A_152 = arith.constant 13 : i32
        %scan3A_153 = arith.addi %scan3A_75, %scan3A_152 : i32
        %lt3A_154 = arith.cmpi slt, %scan3A_153, %get3A_52 : i32
        %convert_element_type3A_155 = arith.extui %lt3A_154 : i1 to i32
        %cond3A_156 = arith.constant 0 : i32
        %cond3A_157 = arith.cmpi ne, %convert_element_type3A_155, %cond3A_156 : i32
        scf.if %cond3A_157 {
          %add3A_170 = arith.constant 256 : i32
          %add3A_171 = arith.addi %add3A_170, %scan3A_153 : i32
          %get3A_172 = arith.index_cast %add3A_171 : i32 to index
          %get3A_173 = memref.load %arg1[%get3A_172] : memref<4096xi32, #tpu.memory_space<smem>>
          %dma_start3A = arith.constant 2 : i32
          %dma_start3A_174 = arith.constant 2 : i32
          %dma_start3A_175 = tpu.memref_slice %arg11[%dma_start3A_174] : memref<4x!tpu.dma_semaphore, #tpu.memory_space<semaphore_mem>> -> memref<1x!tpu.dma_semaphore, #tpu.memory_space<semaphore_mem>>
          %dma_start3A_176 = tpu.memref_squeeze %dma_start3A_175 : memref<1x!tpu.dma_semaphore, #tpu.memory_space<semaphore_mem>> -> memref<!tpu.dma_semaphore, #tpu.memory_space<semaphore_mem>>
          %dma_start3A_177 = arith.constant 0 : i32
          %dma_start3A_178 = tpu.memref_slice %arg10[%dma_start3A, %scan3A_153, %dma_start3A_177] : memref<4x128x10000xf32, #tpu.memory_space<vmem>> -> memref<1x1x10000xf32, #tpu.memory_space<vmem>>
          %dma_start3A_179 = tpu.memref_squeeze %dma_start3A_178 : memref<1x1x10000xf32, #tpu.memory_space<vmem>> -> memref<10000xf32, #tpu.memory_space<vmem>>
          %dma_start3A_180 = arith.constant 0 : i32
          %dma_start3A_181 = tpu.memref_slice %arg3[%get3A_173, %dma_start3A_180] : memref<10000x10000xf32, #tpu.memory_space<hbm>> -> memref<1x10000xf32, #tpu.memory_space<hbm>>
          %dma_start3A_182 = tpu.memref_squeeze %dma_start3A_181 : memref<1x10000xf32, #tpu.memory_space<hbm>> -> memref<10000xf32, #tpu.memory_space<hbm>>
          tpu.enqueue_dma source(%dma_start3A_182 : memref<10000xf32, #tpu.memory_space<hbm>>) target(%dma_start3A_179 : memref<10000xf32, #tpu.memory_space<vmem>>) target_semaphore(%dma_start3A_176 : memref<!tpu.dma_semaphore, #tpu.memory_space<semaphore_mem>>)
        } else {
        }
        %scan3A_158 = arith.constant 14 : i32
        %scan3A_159 = arith.addi %scan3A_75, %scan3A_158 : i32
        %lt3A_160 = arith.cmpi slt, %scan3A_159, %get3A_52 : i32
        %convert_element_type3A_161 = arith.extui %lt3A_160 : i1 to i32
        %cond3A_162 = arith.constant 0 : i32
        %cond3A_163 = arith.cmpi ne, %convert_element_type3A_161, %cond3A_162 : i32
        scf.if %cond3A_163 {
          %add3A_170 = arith.constant 256 : i32
          %add3A_171 = arith.addi %add3A_170, %scan3A_159 : i32
          %get3A_172 = arith.index_cast %add3A_171 : i32 to index
          %get3A_173 = memref.load %arg1[%get3A_172] : memref<4096xi32, #tpu.memory_space<smem>>
          %dma_start3A = arith.constant 2 : i32
          %dma_start3A_174 = arith.constant 2 : i32
          %dma_start3A_175 = tpu.memref_slice %arg11[%dma_start3A_174] : memref<4x!tpu.dma_semaphore, #tpu.memory_space<semaphore_mem>> -> memref<1x!tpu.dma_semaphore, #tpu.memory_space<semaphore_mem>>
          %dma_start3A_176 = tpu.memref_squeeze %dma_start3A_175 : memref<1x!tpu.dma_semaphore, #tpu.memory_space<semaphore_mem>> -> memref<!tpu.dma_semaphore, #tpu.memory_space<semaphore_mem>>
          %dma_start3A_177 = arith.constant 0 : i32
          %dma_start3A_178 = tpu.memref_slice %arg10[%dma_start3A, %scan3A_159, %dma_start3A_177] : memref<4x128x10000xf32, #tpu.memory_space<vmem>> -> memref<1x1x10000xf32, #tpu.memory_space<vmem>>
          %dma_start3A_179 = tpu.memref_squeeze %dma_start3A_178 : memref<1x1x10000xf32, #tpu.memory_space<vmem>> -> memref<10000xf32, #tpu.memory_space<vmem>>
          %dma_start3A_180 = arith.constant 0 : i32
          %dma_start3A_181 = tpu.memref_slice %arg3[%get3A_173, %dma_start3A_180] : memref<10000x10000xf32, #tpu.memory_space<hbm>> -> memref<1x10000xf32, #tpu.memory_space<hbm>>
          %dma_start3A_182 = tpu.memref_squeeze %dma_start3A_181 : memref<1x10000xf32, #tpu.memory_space<hbm>> -> memref<10000xf32, #tpu.memory_space<hbm>>
          tpu.enqueue_dma source(%dma_start3A_182 : memref<10000xf32, #tpu.memory_space<hbm>>) target(%dma_start3A_179 : memref<10000xf32, #tpu.memory_space<vmem>>) target_semaphore(%dma_start3A_176 : memref<!tpu.dma_semaphore, #tpu.memory_space<semaphore_mem>>)
        } else {
        }
        %scan3A_164 = arith.constant 15 : i32
        %scan3A_165 = arith.addi %scan3A_75, %scan3A_164 : i32
        %lt3A_166 = arith.cmpi slt, %scan3A_165, %get3A_52 : i32
        %convert_element_type3A_167 = arith.extui %lt3A_166 : i1 to i32
        %cond3A_168 = arith.constant 0 : i32
        %cond3A_169 = arith.cmpi ne, %convert_element_type3A_167, %cond3A_168 : i32
        scf.if %cond3A_169 {
          %add3A_170 = arith.constant 256 : i32
          %add3A_171 = arith.addi %add3A_170, %scan3A_165 : i32
          %get3A_172 = arith.index_cast %add3A_171 : i32 to index
          %get3A_173 = memref.load %arg1[%get3A_172] : memref<4096xi32, #tpu.memory_space<smem>>
          %dma_start3A = arith.constant 2 : i32
          %dma_start3A_174 = arith.constant 2 : i32
          %dma_start3A_175 = tpu.memref_slice %arg11[%dma_start3A_174] : memref<4x!tpu.dma_semaphore, #tpu.memory_space<semaphore_mem>> -> memref<1x!tpu.dma_semaphore, #tpu.memory_space<semaphore_mem>>
          %dma_start3A_176 = tpu.memref_squeeze %dma_start3A_175 : memref<1x!tpu.dma_semaphore, #tpu.memory_space<semaphore_mem>> -> memref<!tpu.dma_semaphore, #tpu.memory_space<semaphore_mem>>
          %dma_start3A_177 = arith.constant 0 : i32
          %dma_start3A_178 = tpu.memref_slice %arg10[%dma_start3A, %scan3A_165, %dma_start3A_177] : memref<4x128x10000xf32, #tpu.memory_space<vmem>> -> memref<1x1x10000xf32, #tpu.memory_space<vmem>>
          %dma_start3A_179 = tpu.memref_squeeze %dma_start3A_178 : memref<1x1x10000xf32, #tpu.memory_space<vmem>> -> memref<10000xf32, #tpu.memory_space<vmem>>
          %dma_start3A_180 = arith.constant 0 : i32
          %dma_start3A_181 = tpu.memref_slice %arg3[%get3A_173, %dma_start3A_180] : memref<10000x10000xf32, #tpu.memory_space<hbm>> -> memref<1x10000xf32, #tpu.memory_space<hbm>>
          %dma_start3A_182 = tpu.memref_squeeze %dma_start3A_181 : memref<1x10000xf32, #tpu.memory_space<hbm>> -> memref<10000xf32, #tpu.memory_space<hbm>>
          tpu.enqueue_dma source(%dma_start3A_182 : memref<10000xf32, #tpu.memory_space<hbm>>) target(%dma_start3A_179 : memref<10000xf32, #tpu.memory_space<vmem>>) target_semaphore(%dma_start3A_176 : memref<!tpu.dma_semaphore, #tpu.memory_space<semaphore_mem>>)
        } else {
        }
      }
      %scan3A_57 = arith.constant 128 : i32
      %get3A_58 = arith.constant 0 : index
      %get3A_59 = arith.constant 0 : index
      %get3A_60 = vector.load %arg4[%get3A_58, %get3A_59] : memref<10000x128xf32, #tpu.memory_space<vmem>>, vector<10000x128xf32>
      %get3A_61 = arith.constant 0 : index
      %get3A_62 = arith.constant 0 : index
      %get3A_63 = vector.load %arg5[%get3A_61, %get3A_62] : memref<128x128xf32, #tpu.memory_space<vmem>>, vector<128x128xf32>
      %dot_general3A_64 = arith.constant dense<0.000000e+00> : vector<10000x128xf32>
      %dot_general3A_65 = tpu.matmul %get3A_60, %get3A_63, %dot_general3A_64 {dimension_numbers = #tpu.dot_dimension_numbers<[1], [0], [0], [1], [0, 0, 1, 1], [], []>, transpose_lhs_hint = false} : vector<10000x128xf32>, vector<128x128xf32>, vector<10000x128xf32> -> vector<10000x128xf32>
      %get3A_66 = arith.constant 0 : index
      %get3A_67 = arith.constant 0 : index
      %get3A_68 = vector.load %arg6[%get3A_66, %get3A_67] : memref<1x128xf32, #tpu.memory_space<vmem>>, vector<1x128xf32>
      %add3A_69 = vector.broadcast %get3A_68 : vector<1x128xf32> to vector<10000x128xf32>
      %add3A_70 = arith.addf %dot_general3A_65, %add3A_69 : vector<10000x128xf32>
      %convert_element_type3A_71 = arith.truncf %add3A_70 : vector<10000x128xf32> to vector<10000x128xbf16>
      %swap3A_72 = arith.constant 0 : index
      %swap3A_73 = arith.constant 0 : index
      %swap3A_74 = vector.load %arg9[%swap3A_72, %swap3A_73] : memref<10000x128xbf16, #tpu.memory_space<vmem>>, vector<10000x128xbf16>
      tpu.vector_store %arg9[%swap3A_72, %swap3A_73], %convert_element_type3A_71 {strides = array<i32>} : memref<10000x128xbf16, #tpu.memory_space<vmem>>, vector<10000x128xbf16>,
    } else {
    }
    %gt3A = arith.constant 0 : i32
    %gt3A_3 = arith.cmpi sgt, %arg0, %gt3A : i32
    %add3A = arith.constant 2 : i32
    %add3A_4 = arith.addi %arg0, %add3A : i32
    %lt3A = arith.constant 32 : i32
    %lt3A_5 = arith.cmpi slt, %add3A_4, %lt3A : i32
    %and3A = arith.andi %gt3A_3, %lt3A_5 : i1
    %convert_element_type3A_6 = arith.extui %and3A : i1 to i32
    %cond3A_7 = arith.constant 0 : i32
    %cond3A_8 = arith.cmpi ne, %convert_element_type3A_6, %cond3A_7 : i32
    scf.if %cond3A_8 {
      %add3A_37 = arith.constant 2 : i32
      %add3A_38 = arith.addi %arg0, %add3A_37 : i32
      %add3A_39 = arith.constant 2 : i32
      %add3A_40 = arith.addi %arg0, %add3A_39 : i32
      %rem3A_41 = arith.constant 4 : i32
      %rem3A_42 = arith.remsi %add3A_40, %rem3A_41 : i32
      %get3A_43 = arith.index_cast %add3A_38 : i32 to index
      %get3A_44 = memref.load %arg2[%get3A_43] : memref<32xi32, #tpu.memory_space<smem>>
      %scan3A_45 = arith.constant 0 : i32
      %scan3A_46 = arith.constant 128 : i32
      %scan3A_47 = arith.addi %scan3A_45, %scan3A_46 : i32
      %scan3A_48 = arith.constant 16 : i32
      scf.for %scan3A_50 = %scan3A_45 to %scan3A_47 step %scan3A_48  : i32 {
        %lt3A_51 = arith.cmpi slt, %scan3A_50, %get3A_44 : i32
        %convert_element_type3A_52 = arith.extui %lt3A_51 : i1 to i32
        %cond3A_53 = arith.constant 0 : i32
        %cond3A_54 = arith.cmpi ne, %convert_element_type3A_52, %cond3A_53 : i32
        scf.if %cond3A_54 {
          %mul3A = arith.constant 128 : i32
          %mul3A_145 = arith.muli %add3A_38, %mul3A : i32
          %add3A_146 = arith.addi %mul3A_145, %scan3A_50 : i32
          %get3A_147 = arith.index_cast %add3A_146 : i32 to index
          %get3A_148 = memref.load %arg1[%get3A_147] : memref<4096xi32, #tpu.memory_space<smem>>
          %dma_start3A = tpu.memref_slice %arg11[%rem3A_42] : memref<4x!tpu.dma_semaphore, #tpu.memory_space<semaphore_mem>> -> memref<1x!tpu.dma_semaphore, #tpu.memory_space<semaphore_mem>>
          %dma_start3A_149 = tpu.memref_squeeze %dma_start3A : memref<1x!tpu.dma_semaphore, #tpu.memory_space<semaphore_mem>> -> memref<!tpu.dma_semaphore, #tpu.memory_space<semaphore_mem>>
          %dma_start3A_150 = arith.constant 0 : i32
          %dma_start3A_151 = tpu.memref_slice %arg10[%rem3A_42, %scan3A_50, %dma_start3A_150] : memref<4x128x10000xf32, #tpu.memory_space<vmem>> -> memref<1x1x10000xf32, #tpu.memory_space<vmem>>
          %dma_start3A_152 = tpu.memref_squeeze %dma_start3A_151 : memref<1x1x10000xf32, #tpu.memory_space<vmem>> -> memref<10000xf32, #tpu.memory_space<vmem>>
          %dma_start3A_153 = arith.constant 0 : i32
          %dma_start3A_154 = tpu.memref_slice %arg3[%get3A_148, %dma_start3A_153] : memref<10000x10000xf32, #tpu.memory_space<hbm>> -> memref<1x10000xf32, #tpu.memory_space<hbm>>
          %dma_start3A_155 = tpu.memref_squeeze %dma_start3A_154 : memref<1x10000xf32, #tpu.memory_space<hbm>> -> memref<10000xf32, #tpu.memory_space<hbm>>
          tpu.enqueue_dma source(%dma_start3A_155 : memref<10000xf32, #tpu.memory_space<hbm>>) target(%dma_start3A_152 : memref<10000xf32, #tpu.memory_space<vmem>>) target_semaphore(%dma_start3A_149 : memref<!tpu.dma_semaphore, #tpu.memory_space<semaphore_mem>>)
        } else {
        }
        %scan3A_55 = arith.constant 1 : i32
        %scan3A_56 = arith.addi %scan3A_50, %scan3A_55 : i32
        %lt3A_57 = arith.cmpi slt, %scan3A_56, %get3A_44 : i32
        %convert_element_type3A_58 = arith.extui %lt3A_57 : i1 to i32
        %cond3A_59 = arith.constant 0 : i32
        %cond3A_60 = arith.cmpi ne, %convert_element_type3A_58, %cond3A_59 : i32
        scf.if %cond3A_60 {
          %mul3A = arith.constant 128 : i32
          %mul3A_145 = arith.muli %add3A_38, %mul3A : i32
          %add3A_146 = arith.addi %mul3A_145, %scan3A_56 : i32
          %get3A_147 = arith.index_cast %add3A_146 : i32 to index
          %get3A_148 = memref.load %arg1[%get3A_147] : memref<4096xi32, #tpu.memory_space<smem>>
          %dma_start3A = tpu.memref_slice %arg11[%rem3A_42] : memref<4x!tpu.dma_semaphore, #tpu.memory_space<semaphore_mem>> -> memref<1x!tpu.dma_semaphore, #tpu.memory_space<semaphore_mem>>
          %dma_start3A_149 = tpu.memref_squeeze %dma_start3A : memref<1x!tpu.dma_semaphore, #tpu.memory_space<semaphore_mem>> -> memref<!tpu.dma_semaphore, #tpu.memory_space<semaphore_mem>>
          %dma_start3A_150 = arith.constant 0 : i32
          %dma_start3A_151 = tpu.memref_slice %arg10[%rem3A_42, %scan3A_56, %dma_start3A_150] : memref<4x128x10000xf32, #tpu.memory_space<vmem>> -> memref<1x1x10000xf32, #tpu.memory_space<vmem>>
          %dma_start3A_152 = tpu.memref_squeeze %dma_start3A_151 : memref<1x1x10000xf32, #tpu.memory_space<vmem>> -> memref<10000xf32, #tpu.memory_space<vmem>>
          %dma_start3A_153 = arith.constant 0 : i32
          %dma_start3A_154 = tpu.memref_slice %arg3[%get3A_148, %dma_start3A_153] : memref<10000x10000xf32, #tpu.memory_space<hbm>> -> memref<1x10000xf32, #tpu.memory_space<hbm>>
          %dma_start3A_155 = tpu.memref_squeeze %dma_start3A_154 : memref<1x10000xf32, #tpu.memory_space<hbm>> -> memref<10000xf32, #tpu.memory_space<hbm>>
          tpu.enqueue_dma source(%dma_start3A_155 : memref<10000xf32, #tpu.memory_space<hbm>>) target(%dma_start3A_152 : memref<10000xf32, #tpu.memory_space<vmem>>) target_semaphore(%dma_start3A_149 : memref<!tpu.dma_semaphore, #tpu.memory_space<semaphore_mem>>)
        } else {
        }
        %scan3A_61 = arith.constant 2 : i32
        %scan3A_62 = arith.addi %scan3A_50, %scan3A_61 : i32
        %lt3A_63 = arith.cmpi slt, %scan3A_62, %get3A_44 : i32
        %convert_element_type3A_64 = arith.extui %lt3A_63 : i1 to i32
        %cond3A_65 = arith.constant 0 : i32
        %cond3A_66 = arith.cmpi ne, %convert_element_type3A_64, %cond3A_65 : i32
        scf.if %cond3A_66 {
          %mul3A = arith.constant 128 : i32
          %mul3A_145 = arith.muli %add3A_38, %mul3A : i32
          %add3A_146 = arith.addi %mul3A_145, %scan3A_62 : i32
          %get3A_147 = arith.index_cast %add3A_146 : i32 to index
          %get3A_148 = memref.load %arg1[%get3A_147] : memref<4096xi32, #tpu.memory_space<smem>>
          %dma_start3A = tpu.memref_slice %arg11[%rem3A_42] : memref<4x!tpu.dma_semaphore, #tpu.memory_space<semaphore_mem>> -> memref<1x!tpu.dma_semaphore, #tpu.memory_space<semaphore_mem>>
          %dma_start3A_149 = tpu.memref_squeeze %dma_start3A : memref<1x!tpu.dma_semaphore, #tpu.memory_space<semaphore_mem>> -> memref<!tpu.dma_semaphore, #tpu.memory_space<semaphore_mem>>
          %dma_start3A_150 = arith.constant 0 : i32
          %dma_start3A_151 = tpu.memref_slice %arg10[%rem3A_42, %scan3A_62, %dma_start3A_150] : memref<4x128x10000xf32, #tpu.memory_space<vmem>> -> memref<1x1x10000xf32, #tpu.memory_space<vmem>>
          %dma_start3A_152 = tpu.memref_squeeze %dma_start3A_151 : memref<1x1x10000xf32, #tpu.memory_space<vmem>> -> memref<10000xf32, #tpu.memory_space<vmem>>
          %dma_start3A_153 = arith.constant 0 : i32
          %dma_start3A_154 = tpu.memref_slice %arg3[%get3A_148, %dma_start3A_153] : memref<10000x10000xf32, #tpu.memory_space<hbm>> -> memref<1x10000xf32, #tpu.memory_space<hbm>>
          %dma_start3A_155 = tpu.memref_squeeze %dma_start3A_154 : memref<1x10000xf32, #tpu.memory_space<hbm>> -> memref<10000xf32, #tpu.memory_space<hbm>>
          tpu.enqueue_dma source(%dma_start3A_155 : memref<10000xf32, #tpu.memory_space<hbm>>) target(%dma_start3A_152 : memref<10000xf32, #tpu.memory_space<vmem>>) target_semaphore(%dma_start3A_149 : memref<!tpu.dma_semaphore, #tpu.memory_space<semaphore_mem>>)
        } else {
        }
        %scan3A_67 = arith.constant 3 : i32
        %scan3A_68 = arith.addi %scan3A_50, %scan3A_67 : i32
        %lt3A_69 = arith.cmpi slt, %scan3A_68, %get3A_44 : i32
        %convert_element_type3A_70 = arith.extui %lt3A_69 : i1 to i32
        %cond3A_71 = arith.constant 0 : i32
        %cond3A_72 = arith.cmpi ne, %convert_element_type3A_70, %cond3A_71 : i32
        scf.if %cond3A_72 {
          %mul3A = arith.constant 128 : i32
          %mul3A_145 = arith.muli %add3A_38, %mul3A : i32
          %add3A_146 = arith.addi %mul3A_145, %scan3A_68 : i32
          %get3A_147 = arith.index_cast %add3A_146 : i32 to index
          %get3A_148 = memref.load %arg1[%get3A_147] : memref<4096xi32, #tpu.memory_space<smem>>
          %dma_start3A = tpu.memref_slice %arg11[%rem3A_42] : memref<4x!tpu.dma_semaphore, #tpu.memory_space<semaphore_mem>> -> memref<1x!tpu.dma_semaphore, #tpu.memory_space<semaphore_mem>>
          %dma_start3A_149 = tpu.memref_squeeze %dma_start3A : memref<1x!tpu.dma_semaphore, #tpu.memory_space<semaphore_mem>> -> memref<!tpu.dma_semaphore, #tpu.memory_space<semaphore_mem>>
          %dma_start3A_150 = arith.constant 0 : i32
          %dma_start3A_151 = tpu.memref_slice %arg10[%rem3A_42, %scan3A_68, %dma_start3A_150] : memref<4x128x10000xf32, #tpu.memory_space<vmem>> -> memref<1x1x10000xf32, #tpu.memory_space<vmem>>
          %dma_start3A_152 = tpu.memref_squeeze %dma_start3A_151 : memref<1x1x10000xf32, #tpu.memory_space<vmem>> -> memref<10000xf32, #tpu.memory_space<vmem>>
          %dma_start3A_153 = arith.constant 0 : i32
          %dma_start3A_154 = tpu.memref_slice %arg3[%get3A_148, %dma_start3A_153] : memref<10000x10000xf32, #tpu.memory_space<hbm>> -> memref<1x10000xf32, #tpu.memory_space<hbm>>
          %dma_start3A_155 = tpu.memref_squeeze %dma_start3A_154 : memref<1x10000xf32, #tpu.memory_space<hbm>> -> memref<10000xf32, #tpu.memory_space<hbm>>
          tpu.enqueue_dma source(%dma_start3A_155 : memref<10000xf32, #tpu.memory_space<hbm>>) target(%dma_start3A_152 : memref<10000xf32, #tpu.memory_space<vmem>>) target_semaphore(%dma_start3A_149 : memref<!tpu.dma_semaphore, #tpu.memory_space<semaphore_mem>>)
        } else {
        }
        %scan3A_73 = arith.constant 4 : i32
        %scan3A_74 = arith.addi %scan3A_50, %scan3A_73 : i32
        %lt3A_75 = arith.cmpi slt, %scan3A_74, %get3A_44 : i32
        %convert_element_type3A_76 = arith.extui %lt3A_75 : i1 to i32
        %cond3A_77 = arith.constant 0 : i32
        %cond3A_78 = arith.cmpi ne, %convert_element_type3A_76, %cond3A_77 : i32
        scf.if %cond3A_78 {
          %mul3A = arith.constant 128 : i32
          %mul3A_145 = arith.muli %add3A_38, %mul3A : i32
          %add3A_146 = arith.addi %mul3A_145, %scan3A_74 : i32
          %get3A_147 = arith.index_cast %add3A_146 : i32 to index
          %get3A_148 = memref.load %arg1[%get3A_147] : memref<4096xi32, #tpu.memory_space<smem>>
          %dma_start3A = tpu.memref_slice %arg11[%rem3A_42] : memref<4x!tpu.dma_semaphore, #tpu.memory_space<semaphore_mem>> -> memref<1x!tpu.dma_semaphore, #tpu.memory_space<semaphore_mem>>
          %dma_start3A_149 = tpu.memref_squeeze %dma_start3A : memref<1x!tpu.dma_semaphore, #tpu.memory_space<semaphore_mem>> -> memref<!tpu.dma_semaphore, #tpu.memory_space<semaphore_mem>>
          %dma_start3A_150 = arith.constant 0 : i32
          %dma_start3A_151 = tpu.memref_slice %arg10[%rem3A_42, %scan3A_74, %dma_start3A_150] : memref<4x128x10000xf32, #tpu.memory_space<vmem>> -> memref<1x1x10000xf32, #tpu.memory_space<vmem>>
          %dma_start3A_152 = tpu.memref_squeeze %dma_start3A_151 : memref<1x1x10000xf32, #tpu.memory_space<vmem>> -> memref<10000xf32, #tpu.memory_space<vmem>>
          %dma_start3A_153 = arith.constant 0 : i32
          %dma_start3A_154 = tpu.memref_slice %arg3[%get3A_148, %dma_start3A_153] : memref<10000x10000xf32, #tpu.memory_space<hbm>> -> memref<1x10000xf32, #tpu.memory_space<hbm>>
          %dma_start3A_155 = tpu.memref_squeeze %dma_start3A_154 : memref<1x10000xf32, #tpu.memory_space<hbm>> -> memref<10000xf32, #tpu.memory_space<hbm>>
          tpu.enqueue_dma source(%dma_start3A_155 : memref<10000xf32, #tpu.memory_space<hbm>>) target(%dma_start3A_152 : memref<10000xf32, #tpu.memory_space<vmem>>) target_semaphore(%dma_start3A_149 : memref<!tpu.dma_semaphore, #tpu.memory_space<semaphore_mem>>)
        } else {
        }
        %scan3A_79 = arith.constant 5 : i32
        %scan3A_80 = arith.addi %scan3A_50, %scan3A_79 : i32
        %lt3A_81 = arith.cmpi slt, %scan3A_80, %get3A_44 : i32
        %convert_element_type3A_82 = arith.extui %lt3A_81 : i1 to i32
        %cond3A_83 = arith.constant 0 : i32
        %cond3A_84 = arith.cmpi ne, %convert_element_type3A_82, %cond3A_83 : i32
        scf.if %cond3A_84 {
          %mul3A = arith.constant 128 : i32
          %mul3A_145 = arith.muli %add3A_38, %mul3A : i32
          %add3A_146 = arith.addi %mul3A_145, %scan3A_80 : i32
          %get3A_147 = arith.index_cast %add3A_146 : i32 to index
          %get3A_148 = memref.load %arg1[%get3A_147] : memref<4096xi32, #tpu.memory_space<smem>>
          %dma_start3A = tpu.memref_slice %arg11[%rem3A_42] : memref<4x!tpu.dma_semaphore, #tpu.memory_space<semaphore_mem>> -> memref<1x!tpu.dma_semaphore, #tpu.memory_space<semaphore_mem>>
          %dma_start3A_149 = tpu.memref_squeeze %dma_start3A : memref<1x!tpu.dma_semaphore, #tpu.memory_space<semaphore_mem>> -> memref<!tpu.dma_semaphore, #tpu.memory_space<semaphore_mem>>
          %dma_start3A_150 = arith.constant 0 : i32
          %dma_start3A_151 = tpu.memref_slice %arg10[%rem3A_42, %scan3A_80, %dma_start3A_150] : memref<4x128x10000xf32, #tpu.memory_space<vmem>> -> memref<1x1x10000xf32, #tpu.memory_space<vmem>>
          %dma_start3A_152 = tpu.memref_squeeze %dma_start3A_151 : memref<1x1x10000xf32, #tpu.memory_space<vmem>> -> memref<10000xf32, #tpu.memory_space<vmem>>
          %dma_start3A_153 = arith.constant 0 : i32
          %dma_start3A_154 = tpu.memref_slice %arg3[%get3A_148, %dma_start3A_153] : memref<10000x10000xf32, #tpu.memory_space<hbm>> -> memref<1x10000xf32, #tpu.memory_space<hbm>>
          %dma_start3A_155 = tpu.memref_squeeze %dma_start3A_154 : memref<1x10000xf32, #tpu.memory_space<hbm>> -> memref<10000xf32, #tpu.memory_space<hbm>>
          tpu.enqueue_dma source(%dma_start3A_155 : memref<10000xf32, #tpu.memory_space<hbm>>) target(%dma_start3A_152 : memref<10000xf32, #tpu.memory_space<vmem>>) target_semaphore(%dma_start3A_149 : memref<!tpu.dma_semaphore, #tpu.memory_space<semaphore_mem>>)
        } else {
        }
        %scan3A_85 = arith.constant 6 : i32
        %scan3A_86 = arith.addi %scan3A_50, %scan3A_85 : i32
        %lt3A_87 = arith.cmpi slt, %scan3A_86, %get3A_44 : i32
        %convert_element_type3A_88 = arith.extui %lt3A_87 : i1 to i32
        %cond3A_89 = arith.constant 0 : i32
        %cond3A_90 = arith.cmpi ne, %convert_element_type3A_88, %cond3A_89 : i32
        scf.if %cond3A_90 {
          %mul3A = arith.constant 128 : i32
          %mul3A_145 = arith.muli %add3A_38, %mul3A : i32
          %add3A_146 = arith.addi %mul3A_145, %scan3A_86 : i32
          %get3A_147 = arith.index_cast %add3A_146 : i32 to index
          %get3A_148 = memref.load %arg1[%get3A_147] : memref<4096xi32, #tpu.memory_space<smem>>
          %dma_start3A = tpu.memref_slice %arg11[%rem3A_42] : memref<4x!tpu.dma_semaphore, #tpu.memory_space<semaphore_mem>> -> memref<1x!tpu.dma_semaphore, #tpu.memory_space<semaphore_mem>>
          %dma_start3A_149 = tpu.memref_squeeze %dma_start3A : memref<1x!tpu.dma_semaphore, #tpu.memory_space<semaphore_mem>> -> memref<!tpu.dma_semaphore, #tpu.memory_space<semaphore_mem>>
          %dma_start3A_150 = arith.constant 0 : i32
          %dma_start3A_151 = tpu.memref_slice %arg10[%rem3A_42, %scan3A_86, %dma_start3A_150] : memref<4x128x10000xf32, #tpu.memory_space<vmem>> -> memref<1x1x10000xf32, #tpu.memory_space<vmem>>
          %dma_start3A_152 = tpu.memref_squeeze %dma_start3A_151 : memref<1x1x10000xf32, #tpu.memory_space<vmem>> -> memref<10000xf32, #tpu.memory_space<vmem>>
          %dma_start3A_153 = arith.constant 0 : i32
          %dma_start3A_154 = tpu.memref_slice %arg3[%get3A_148, %dma_start3A_153] : memref<10000x10000xf32, #tpu.memory_space<hbm>> -> memref<1x10000xf32, #tpu.memory_space<hbm>>
          %dma_start3A_155 = tpu.memref_squeeze %dma_start3A_154 : memref<1x10000xf32, #tpu.memory_space<hbm>> -> memref<10000xf32, #tpu.memory_space<hbm>>
          tpu.enqueue_dma source(%dma_start3A_155 : memref<10000xf32, #tpu.memory_space<hbm>>) target(%dma_start3A_152 : memref<10000xf32, #tpu.memory_space<vmem>>) target_semaphore(%dma_start3A_149 : memref<!tpu.dma_semaphore, #tpu.memory_space<semaphore_mem>>)
        } else {
        }
        %scan3A_91 = arith.constant 7 : i32
        %scan3A_92 = arith.addi %scan3A_50, %scan3A_91 : i32
        %lt3A_93 = arith.cmpi slt, %scan3A_92, %get3A_44 : i32
        %convert_element_type3A_94 = arith.extui %lt3A_93 : i1 to i32
        %cond3A_95 = arith.constant 0 : i32
        %cond3A_96 = arith.cmpi ne, %convert_element_type3A_94, %cond3A_95 : i32
        scf.if %cond3A_96 {
          %mul3A = arith.constant 128 : i32
          %mul3A_145 = arith.muli %add3A_38, %mul3A : i32
          %add3A_146 = arith.addi %mul3A_145, %scan3A_92 : i32
          %get3A_147 = arith.index_cast %add3A_146 : i32 to index
          %get3A_148 = memref.load %arg1[%get3A_147] : memref<4096xi32, #tpu.memory_space<smem>>
          %dma_start3A = tpu.memref_slice %arg11[%rem3A_42] : memref<4x!tpu.dma_semaphore, #tpu.memory_space<semaphore_mem>> -> memref<1x!tpu.dma_semaphore, #tpu.memory_space<semaphore_mem>>
          %dma_start3A_149 = tpu.memref_squeeze %dma_start3A : memref<1x!tpu.dma_semaphore, #tpu.memory_space<semaphore_mem>> -> memref<!tpu.dma_semaphore, #tpu.memory_space<semaphore_mem>>
          %dma_start3A_150 = arith.constant 0 : i32
          %dma_start3A_151 = tpu.memref_slice %arg10[%rem3A_42, %scan3A_92, %dma_start3A_150] : memref<4x128x10000xf32, #tpu.memory_space<vmem>> -> memref<1x1x10000xf32, #tpu.memory_space<vmem>>
          %dma_start3A_152 = tpu.memref_squeeze %dma_start3A_151 : memref<1x1x10000xf32, #tpu.memory_space<vmem>> -> memref<10000xf32, #tpu.memory_space<vmem>>
          %dma_start3A_153 = arith.constant 0 : i32
          %dma_start3A_154 = tpu.memref_slice %arg3[%get3A_148, %dma_start3A_153] : memref<10000x10000xf32, #tpu.memory_space<hbm>> -> memref<1x10000xf32, #tpu.memory_space<hbm>>
          %dma_start3A_155 = tpu.memref_squeeze %dma_start3A_154 : memref<1x10000xf32, #tpu.memory_space<hbm>> -> memref<10000xf32, #tpu.memory_space<hbm>>
          tpu.enqueue_dma source(%dma_start3A_155 : memref<10000xf32, #tpu.memory_space<hbm>>) target(%dma_start3A_152 : memref<10000xf32, #tpu.memory_space<vmem>>) target_semaphore(%dma_start3A_149 : memref<!tpu.dma_semaphore, #tpu.memory_space<semaphore_mem>>)
        } else {
        }
        %scan3A_97 = arith.constant 8 : i32
        %scan3A_98 = arith.addi %scan3A_50, %scan3A_97 : i32
        %lt3A_99 = arith.cmpi slt, %scan3A_98, %get3A_44 : i32
        %convert_element_type3A_100 = arith.extui %lt3A_99 : i1 to i32
        %cond3A_101 = arith.constant 0 : i32
        %cond3A_102 = arith.cmpi ne, %convert_element_type3A_100, %cond3A_101 : i32
        scf.if %cond3A_102 {
          %mul3A = arith.constant 128 : i32
          %mul3A_145 = arith.muli %add3A_38, %mul3A : i32
          %add3A_146 = arith.addi %mul3A_145, %scan3A_98 : i32
          %get3A_147 = arith.index_cast %add3A_146 : i32 to index
          %get3A_148 = memref.load %arg1[%get3A_147] : memref<4096xi32, #tpu.memory_space<smem>>
          %dma_start3A = tpu.memref_slice %arg11[%rem3A_42] : memref<4x!tpu.dma_semaphore, #tpu.memory_space<semaphore_mem>> -> memref<1x!tpu.dma_semaphore, #tpu.memory_space<semaphore_mem>>
          %dma_start3A_149 = tpu.memref_squeeze %dma_start3A : memref<1x!tpu.dma_semaphore, #tpu.memory_space<semaphore_mem>> -> memref<!tpu.dma_semaphore, #tpu.memory_space<semaphore_mem>>
          %dma_start3A_150 = arith.constant 0 : i32
          %dma_start3A_151 = tpu.memref_slice %arg10[%rem3A_42, %scan3A_98, %dma_start3A_150] : memref<4x128x10000xf32, #tpu.memory_space<vmem>> -> memref<1x1x10000xf32, #tpu.memory_space<vmem>>
          %dma_start3A_152 = tpu.memref_squeeze %dma_start3A_151 : memref<1x1x10000xf32, #tpu.memory_space<vmem>> -> memref<10000xf32, #tpu.memory_space<vmem>>
          %dma_start3A_153 = arith.constant 0 : i32
          %dma_start3A_154 = tpu.memref_slice %arg3[%get3A_148, %dma_start3A_153] : memref<10000x10000xf32, #tpu.memory_space<hbm>> -> memref<1x10000xf32, #tpu.memory_space<hbm>>
          %dma_start3A_155 = tpu.memref_squeeze %dma_start3A_154 : memref<1x10000xf32, #tpu.memory_space<hbm>> -> memref<10000xf32, #tpu.memory_space<hbm>>
          tpu.enqueue_dma source(%dma_start3A_155 : memref<10000xf32, #tpu.memory_space<hbm>>) target(%dma_start3A_152 : memref<10000xf32, #tpu.memory_space<vmem>>) target_semaphore(%dma_start3A_149 : memref<!tpu.dma_semaphore, #tpu.memory_space<semaphore_mem>>)
        } else {
        }
        %scan3A_103 = arith.constant 9 : i32
        %scan3A_104 = arith.addi %scan3A_50, %scan3A_103 : i32
        %lt3A_105 = arith.cmpi slt, %scan3A_104, %get3A_44 : i32
        %convert_element_type3A_106 = arith.extui %lt3A_105 : i1 to i32
        %cond3A_107 = arith.constant 0 : i32
        %cond3A_108 = arith.cmpi ne, %convert_element_type3A_106, %cond3A_107 : i32
        scf.if %cond3A_108 {
          %mul3A = arith.constant 128 : i32
          %mul3A_145 = arith.muli %add3A_38, %mul3A : i32
          %add3A_146 = arith.addi %mul3A_145, %scan3A_104 : i32
          %get3A_147 = arith.index_cast %add3A_146 : i32 to index
          %get3A_148 = memref.load %arg1[%get3A_147] : memref<4096xi32, #tpu.memory_space<smem>>
          %dma_start3A = tpu.memref_slice %arg11[%rem3A_42] : memref<4x!tpu.dma_semaphore, #tpu.memory_space<semaphore_mem>> -> memref<1x!tpu.dma_semaphore, #tpu.memory_space<semaphore_mem>>
          %dma_start3A_149 = tpu.memref_squeeze %dma_start3A : memref<1x!tpu.dma_semaphore, #tpu.memory_space<semaphore_mem>> -> memref<!tpu.dma_semaphore, #tpu.memory_space<semaphore_mem>>
          %dma_start3A_150 = arith.constant 0 : i32
          %dma_start3A_151 = tpu.memref_slice %arg10[%rem3A_42, %scan3A_104, %dma_start3A_150] : memref<4x128x10000xf32, #tpu.memory_space<vmem>> -> memref<1x1x10000xf32, #tpu.memory_space<vmem>>
          %dma_start3A_152 = tpu.memref_squeeze %dma_start3A_151 : memref<1x1x10000xf32, #tpu.memory_space<vmem>> -> memref<10000xf32, #tpu.memory_space<vmem>>
          %dma_start3A_153 = arith.constant 0 : i32
          %dma_start3A_154 = tpu.memref_slice %arg3[%get3A_148, %dma_start3A_153] : memref<10000x10000xf32, #tpu.memory_space<hbm>> -> memref<1x10000xf32, #tpu.memory_space<hbm>>
          %dma_start3A_155 = tpu.memref_squeeze %dma_start3A_154 : memref<1x10000xf32, #tpu.memory_space<hbm>> -> memref<10000xf32, #tpu.memory_space<hbm>>
          tpu.enqueue_dma source(%dma_start3A_155 : memref<10000xf32, #tpu.memory_space<hbm>>) target(%dma_start3A_152 : memref<10000xf32, #tpu.memory_space<vmem>>) target_semaphore(%dma_start3A_149 : memref<!tpu.dma_semaphore, #tpu.memory_space<semaphore_mem>>)
        } else {
        }
        %scan3A_109 = arith.constant 10 : i32
        %scan3A_110 = arith.addi %scan3A_50, %scan3A_109 : i32
        %lt3A_111 = arith.cmpi slt, %scan3A_110, %get3A_44 : i32
        %convert_element_type3A_112 = arith.extui %lt3A_111 : i1 to i32
        %cond3A_113 = arith.constant 0 : i32
        %cond3A_114 = arith.cmpi ne, %convert_element_type3A_112, %cond3A_113 : i32
        scf.if %cond3A_114 {
          %mul3A = arith.constant 128 : i32
          %mul3A_145 = arith.muli %add3A_38, %mul3A : i32
          %add3A_146 = arith.addi %mul3A_145, %scan3A_110 : i32
          %get3A_147 = arith.index_cast %add3A_146 : i32 to index
          %get3A_148 = memref.load %arg1[%get3A_147] : memref<4096xi32, #tpu.memory_space<smem>>
          %dma_start3A = tpu.memref_slice %arg11[%rem3A_42] : memref<4x!tpu.dma_semaphore, #tpu.memory_space<semaphore_mem>> -> memref<1x!tpu.dma_semaphore, #tpu.memory_space<semaphore_mem>>
          %dma_start3A_149 = tpu.memref_squeeze %dma_start3A : memref<1x!tpu.dma_semaphore, #tpu.memory_space<semaphore_mem>> -> memref<!tpu.dma_semaphore, #tpu.memory_space<semaphore_mem>>
          %dma_start3A_150 = arith.constant 0 : i32
          %dma_start3A_151 = tpu.memref_slice %arg10[%rem3A_42, %scan3A_110, %dma_start3A_150] : memref<4x128x10000xf32, #tpu.memory_space<vmem>> -> memref<1x1x10000xf32, #tpu.memory_space<vmem>>
          %dma_start3A_152 = tpu.memref_squeeze %dma_start3A_151 : memref<1x1x10000xf32, #tpu.memory_space<vmem>> -> memref<10000xf32, #tpu.memory_space<vmem>>
          %dma_start3A_153 = arith.constant 0 : i32
          %dma_start3A_154 = tpu.memref_slice %arg3[%get3A_148, %dma_start3A_153] : memref<10000x10000xf32, #tpu.memory_space<hbm>> -> memref<1x10000xf32, #tpu.memory_space<hbm>>
          %dma_start3A_155 = tpu.memref_squeeze %dma_start3A_154 : memref<1x10000xf32, #tpu.memory_space<hbm>> -> memref<10000xf32, #tpu.memory_space<hbm>>
          tpu.enqueue_dma source(%dma_start3A_155 : memref<10000xf32, #tpu.memory_space<hbm>>) target(%dma_start3A_152 : memref<10000xf32, #tpu.memory_space<vmem>>) target_semaphore(%dma_start3A_149 : memref<!tpu.dma_semaphore, #tpu.memory_space<semaphore_mem>>)
        } else {
        }
        %scan3A_115 = arith.constant 11 : i32
        %scan3A_116 = arith.addi %scan3A_50, %scan3A_115 : i32
        %lt3A_117 = arith.cmpi slt, %scan3A_116, %get3A_44 : i32
        %convert_element_type3A_118 = arith.extui %lt3A_117 : i1 to i32
        %cond3A_119 = arith.constant 0 : i32
        %cond3A_120 = arith.cmpi ne, %convert_element_type3A_118, %cond3A_119 : i32
        scf.if %cond3A_120 {
          %mul3A = arith.constant 128 : i32
          %mul3A_145 = arith.muli %add3A_38, %mul3A : i32
          %add3A_146 = arith.addi %mul3A_145, %scan3A_116 : i32
          %get3A_147 = arith.index_cast %add3A_146 : i32 to index
          %get3A_148 = memref.load %arg1[%get3A_147] : memref<4096xi32, #tpu.memory_space<smem>>
          %dma_start3A = tpu.memref_slice %arg11[%rem3A_42] : memref<4x!tpu.dma_semaphore, #tpu.memory_space<semaphore_mem>> -> memref<1x!tpu.dma_semaphore, #tpu.memory_space<semaphore_mem>>
          %dma_start3A_149 = tpu.memref_squeeze %dma_start3A : memref<1x!tpu.dma_semaphore, #tpu.memory_space<semaphore_mem>> -> memref<!tpu.dma_semaphore, #tpu.memory_space<semaphore_mem>>
          %dma_start3A_150 = arith.constant 0 : i32
          %dma_start3A_151 = tpu.memref_slice %arg10[%rem3A_42, %scan3A_116, %dma_start3A_150] : memref<4x128x10000xf32, #tpu.memory_space<vmem>> -> memref<1x1x10000xf32, #tpu.memory_space<vmem>>
          %dma_start3A_152 = tpu.memref_squeeze %dma_start3A_151 : memref<1x1x10000xf32, #tpu.memory_space<vmem>> -> memref<10000xf32, #tpu.memory_space<vmem>>
          %dma_start3A_153 = arith.constant 0 : i32
          %dma_start3A_154 = tpu.memref_slice %arg3[%get3A_148, %dma_start3A_153] : memref<10000x10000xf32, #tpu.memory_space<hbm>> -> memref<1x10000xf32, #tpu.memory_space<hbm>>
          %dma_start3A_155 = tpu.memref_squeeze %dma_start3A_154 : memref<1x10000xf32, #tpu.memory_space<hbm>> -> memref<10000xf32, #tpu.memory_space<hbm>>
          tpu.enqueue_dma source(%dma_start3A_155 : memref<10000xf32, #tpu.memory_space<hbm>>) target(%dma_start3A_152 : memref<10000xf32, #tpu.memory_space<vmem>>) target_semaphore(%dma_start3A_149 : memref<!tpu.dma_semaphore, #tpu.memory_space<semaphore_mem>>)
        } else {
        }
        %scan3A_121 = arith.constant 12 : i32
        %scan3A_122 = arith.addi %scan3A_50, %scan3A_121 : i32
        %lt3A_123 = arith.cmpi slt, %scan3A_122, %get3A_44 : i32
        %convert_element_type3A_124 = arith.extui %lt3A_123 : i1 to i32
        %cond3A_125 = arith.constant 0 : i32
        %cond3A_126 = arith.cmpi ne, %convert_element_type3A_124, %cond3A_125 : i32
        scf.if %cond3A_126 {
          %mul3A = arith.constant 128 : i32
          %mul3A_145 = arith.muli %add3A_38, %mul3A : i32
          %add3A_146 = arith.addi %mul3A_145, %scan3A_122 : i32
          %get3A_147 = arith.index_cast %add3A_146 : i32 to index
          %get3A_148 = memref.load %arg1[%get3A_147] : memref<4096xi32, #tpu.memory_space<smem>>
          %dma_start3A = tpu.memref_slice %arg11[%rem3A_42] : memref<4x!tpu.dma_semaphore, #tpu.memory_space<semaphore_mem>> -> memref<1x!tpu.dma_semaphore, #tpu.memory_space<semaphore_mem>>
          %dma_start3A_149 = tpu.memref_squeeze %dma_start3A : memref<1x!tpu.dma_semaphore, #tpu.memory_space<semaphore_mem>> -> memref<!tpu.dma_semaphore, #tpu.memory_space<semaphore_mem>>
          %dma_start3A_150 = arith.constant 0 : i32
          %dma_start3A_151 = tpu.memref_slice %arg10[%rem3A_42, %scan3A_122, %dma_start3A_150] : memref<4x128x10000xf32, #tpu.memory_space<vmem>> -> memref<1x1x10000xf32, #tpu.memory_space<vmem>>
          %dma_start3A_152 = tpu.memref_squeeze %dma_start3A_151 : memref<1x1x10000xf32, #tpu.memory_space<vmem>> -> memref<10000xf32, #tpu.memory_space<vmem>>
          %dma_start3A_153 = arith.constant 0 : i32
          %dma_start3A_154 = tpu.memref_slice %arg3[%get3A_148, %dma_start3A_153] : memref<10000x10000xf32, #tpu.memory_space<hbm>> -> memref<1x10000xf32, #tpu.memory_space<hbm>>
          %dma_start3A_155 = tpu.memref_squeeze %dma_start3A_154 : memref<1x10000xf32, #tpu.memory_space<hbm>> -> memref<10000xf32, #tpu.memory_space<hbm>>
          tpu.enqueue_dma source(%dma_start3A_155 : memref<10000xf32, #tpu.memory_space<hbm>>) target(%dma_start3A_152 : memref<10000xf32, #tpu.memory_space<vmem>>) target_semaphore(%dma_start3A_149 : memref<!tpu.dma_semaphore, #tpu.memory_space<semaphore_mem>>)
        } else {
        }
        %scan3A_127 = arith.constant 13 : i32
        %scan3A_128 = arith.addi %scan3A_50, %scan3A_127 : i32
        %lt3A_129 = arith.cmpi slt, %scan3A_128, %get3A_44 : i32
        %convert_element_type3A_130 = arith.extui %lt3A_129 : i1 to i32
        %cond3A_131 = arith.constant 0 : i32
        %cond3A_132 = arith.cmpi ne, %convert_element_type3A_130, %cond3A_131 : i32
        scf.if %cond3A_132 {
          %mul3A = arith.constant 128 : i32
          %mul3A_145 = arith.muli %add3A_38, %mul3A : i32
          %add3A_146 = arith.addi %mul3A_145, %scan3A_128 : i32
          %get3A_147 = arith.index_cast %add3A_146 : i32 to index
          %get3A_148 = memref.load %arg1[%get3A_147] : memref<4096xi32, #tpu.memory_space<smem>>
          %dma_start3A = tpu.memref_slice %arg11[%rem3A_42] : memref<4x!tpu.dma_semaphore, #tpu.memory_space<semaphore_mem>> -> memref<1x!tpu.dma_semaphore, #tpu.memory_space<semaphore_mem>>
          %dma_start3A_149 = tpu.memref_squeeze %dma_start3A : memref<1x!tpu.dma_semaphore, #tpu.memory_space<semaphore_mem>> -> memref<!tpu.dma_semaphore, #tpu.memory_space<semaphore_mem>>
          %dma_start3A_150 = arith.constant 0 : i32
          %dma_start3A_151 = tpu.memref_slice %arg10[%rem3A_42, %scan3A_128, %dma_start3A_150] : memref<4x128x10000xf32, #tpu.memory_space<vmem>> -> memref<1x1x10000xf32, #tpu.memory_space<vmem>>
          %dma_start3A_152 = tpu.memref_squeeze %dma_start3A_151 : memref<1x1x10000xf32, #tpu.memory_space<vmem>> -> memref<10000xf32, #tpu.memory_space<vmem>>
          %dma_start3A_153 = arith.constant 0 : i32
          %dma_start3A_154 = tpu.memref_slice %arg3[%get3A_148, %dma_start3A_153] : memref<10000x10000xf32, #tpu.memory_space<hbm>> -> memref<1x10000xf32, #tpu.memory_space<hbm>>
          %dma_start3A_155 = tpu.memref_squeeze %dma_start3A_154 : memref<1x10000xf32, #tpu.memory_space<hbm>> -> memref<10000xf32, #tpu.memory_space<hbm>>
          tpu.enqueue_dma source(%dma_start3A_155 : memref<10000xf32, #tpu.memory_space<hbm>>) target(%dma_start3A_152 : memref<10000xf32, #tpu.memory_space<vmem>>) target_semaphore(%dma_start3A_149 : memref<!tpu.dma_semaphore, #tpu.memory_space<semaphore_mem>>)
        } else {
        }
        %scan3A_133 = arith.constant 14 : i32
        %scan3A_134 = arith.addi %scan3A_50, %scan3A_133 : i32
        %lt3A_135 = arith.cmpi slt, %scan3A_134, %get3A_44 : i32
        %convert_element_type3A_136 = arith.extui %lt3A_135 : i1 to i32
        %cond3A_137 = arith.constant 0 : i32
        %cond3A_138 = arith.cmpi ne, %convert_element_type3A_136, %cond3A_137 : i32
        scf.if %cond3A_138 {
          %mul3A = arith.constant 128 : i32
          %mul3A_145 = arith.muli %add3A_38, %mul3A : i32
          %add3A_146 = arith.addi %mul3A_145, %scan3A_134 : i32
          %get3A_147 = arith.index_cast %add3A_146 : i32 to index
          %get3A_148 = memref.load %arg1[%get3A_147] : memref<4096xi32, #tpu.memory_space<smem>>
          %dma_start3A = tpu.memref_slice %arg11[%rem3A_42] : memref<4x!tpu.dma_semaphore, #tpu.memory_space<semaphore_mem>> -> memref<1x!tpu.dma_semaphore, #tpu.memory_space<semaphore_mem>>
          %dma_start3A_149 = tpu.memref_squeeze %dma_start3A : memref<1x!tpu.dma_semaphore, #tpu.memory_space<semaphore_mem>> -> memref<!tpu.dma_semaphore, #tpu.memory_space<semaphore_mem>>
          %dma_start3A_150 = arith.constant 0 : i32
          %dma_start3A_151 = tpu.memref_slice %arg10[%rem3A_42, %scan3A_134, %dma_start3A_150] : memref<4x128x10000xf32, #tpu.memory_space<vmem>> -> memref<1x1x10000xf32, #tpu.memory_space<vmem>>
          %dma_start3A_152 = tpu.memref_squeeze %dma_start3A_151 : memref<1x1x10000xf32, #tpu.memory_space<vmem>> -> memref<10000xf32, #tpu.memory_space<vmem>>
          %dma_start3A_153 = arith.constant 0 : i32
          %dma_start3A_154 = tpu.memref_slice %arg3[%get3A_148, %dma_start3A_153] : memref<10000x10000xf32, #tpu.memory_space<hbm>> -> memref<1x10000xf32, #tpu.memory_space<hbm>>
          %dma_start3A_155 = tpu.memref_squeeze %dma_start3A_154 : memref<1x10000xf32, #tpu.memory_space<hbm>> -> memref<10000xf32, #tpu.memory_space<hbm>>
          tpu.enqueue_dma source(%dma_start3A_155 : memref<10000xf32, #tpu.memory_space<hbm>>) target(%dma_start3A_152 : memref<10000xf32, #tpu.memory_space<vmem>>) target_semaphore(%dma_start3A_149 : memref<!tpu.dma_semaphore, #tpu.memory_space<semaphore_mem>>)
        } else {
        }
        %scan3A_139 = arith.constant 15 : i32
        %scan3A_140 = arith.addi %scan3A_50, %scan3A_139 : i32
        %lt3A_141 = arith.cmpi slt, %scan3A_140, %get3A_44 : i32
        %convert_element_type3A_142 = arith.extui %lt3A_141 : i1 to i32
        %cond3A_143 = arith.constant 0 : i32
        %cond3A_144 = arith.cmpi ne, %convert_element_type3A_142, %cond3A_143 : i32
        scf.if %cond3A_144 {
          %mul3A = arith.constant 128 : i32
          %mul3A_145 = arith.muli %add3A_38, %mul3A : i32
          %add3A_146 = arith.addi %mul3A_145, %scan3A_140 : i32
          %get3A_147 = arith.index_cast %add3A_146 : i32 to index
          %get3A_148 = memref.load %arg1[%get3A_147] : memref<4096xi32, #tpu.memory_space<smem>>
          %dma_start3A = tpu.memref_slice %arg11[%rem3A_42] : memref<4x!tpu.dma_semaphore, #tpu.memory_space<semaphore_mem>> -> memref<1x!tpu.dma_semaphore, #tpu.memory_space<semaphore_mem>>
          %dma_start3A_149 = tpu.memref_squeeze %dma_start3A : memref<1x!tpu.dma_semaphore, #tpu.memory_space<semaphore_mem>> -> memref<!tpu.dma_semaphore, #tpu.memory_space<semaphore_mem>>
          %dma_start3A_150 = arith.constant 0 : i32
          %dma_start3A_151 = tpu.memref_slice %arg10[%rem3A_42, %scan3A_140, %dma_start3A_150] : memref<4x128x10000xf32, #tpu.memory_space<vmem>> -> memref<1x1x10000xf32, #tpu.memory_space<vmem>>
          %dma_start3A_152 = tpu.memref_squeeze %dma_start3A_151 : memref<1x1x10000xf32, #tpu.memory_space<vmem>> -> memref<10000xf32, #tpu.memory_space<vmem>>
          %dma_start3A_153 = arith.constant 0 : i32
          %dma_start3A_154 = tpu.memref_slice %arg3[%get3A_148, %dma_start3A_153] : memref<10000x10000xf32, #tpu.memory_space<hbm>> -> memref<1x10000xf32, #tpu.memory_space<hbm>>
          %dma_start3A_155 = tpu.memref_squeeze %dma_start3A_154 : memref<1x10000xf32, #tpu.memory_space<hbm>> -> memref<10000xf32, #tpu.memory_space<hbm>>
          tpu.enqueue_dma source(%dma_start3A_155 : memref<10000xf32, #tpu.memory_space<hbm>>) target(%dma_start3A_152 : memref<10000xf32, #tpu.memory_space<vmem>>) target_semaphore(%dma_start3A_149 : memref<!tpu.dma_semaphore, #tpu.memory_space<semaphore_mem>>)
        } else {
        }
      }
      %scan3A_49 = arith.constant 128 : i32
    } else {
    }
    %scan3A = arith.constant 0 : i32
    %scan3A_9 = arith.constant 128 : i32
    %scan3A_10 = arith.addi %scan3A, %scan3A_9 : i32
    %scan3A_11 = arith.constant 16 : i32
    scf.for %scan3A_37 = %scan3A to %scan3A_10 step %scan3A_11  : i32 {
      %get3A_38 = arith.index_cast %arg0 : i32 to index
      %get3A_39 = memref.load %arg2[%get3A_38] : memref<32xi32, #tpu.memory_space<smem>>
      %lt3A_40 = arith.cmpi slt, %scan3A_37, %get3A_39 : i32
      %convert_element_type3A_41 = arith.extui %lt3A_40 : i1 to i32
      %cond3A_42 = arith.constant 0 : i32
      %cond3A_43 = arith.cmpi ne, %convert_element_type3A_41, %cond3A_42 : i32
      scf.if %cond3A_43 {
        %dma_wait3A = arith.constant 0 : i32
        %dma_wait3A_164 = tpu.memref_slice %arg11[%rem3A_0] : memref<4x!tpu.dma_semaphore, #tpu.memory_space<semaphore_mem>> -> memref<1x!tpu.dma_semaphore, #tpu.memory_space<semaphore_mem>>
        %dma_wait3A_165 = tpu.memref_squeeze %dma_wait3A_164 : memref<1x!tpu.dma_semaphore, #tpu.memory_space<semaphore_mem>> -> memref<!tpu.dma_semaphore, #tpu.memory_space<semaphore_mem>>
        %dma_wait3A_166 = arith.constant 0 : i32
        %dma_wait3A_167 = tpu.memref_slice %arg10[%rem3A_0, %scan3A_37, %dma_wait3A_166] : memref<4x128x10000xf32, #tpu.memory_space<vmem>> -> memref<1x1x10000xf32, #tpu.memory_space<vmem>>
        %dma_wait3A_168 = tpu.memref_squeeze %dma_wait3A_167 : memref<1x1x10000xf32, #tpu.memory_space<vmem>> -> memref<10000xf32, #tpu.memory_space<vmem>>
        %dma_wait3A_169 = arith.constant 0 : i32
        %dma_wait3A_170 = tpu.memref_slice %arg3[%dma_wait3A, %dma_wait3A_169] : memref<10000x10000xf32, #tpu.memory_space<hbm>> -> memref<1x10000xf32, #tpu.memory_space<hbm>>
        %dma_wait3A_171 = tpu.memref_squeeze %dma_wait3A_170 : memref<1x10000xf32, #tpu.memory_space<hbm>> -> memref<10000xf32, #tpu.memory_space<hbm>>
        tpu.wait_dma2 semaphore(%dma_wait3A_165 : memref<!tpu.dma_semaphore, #tpu.memory_space<semaphore_mem>>) src(%dma_wait3A_171 : memref<10000xf32, #tpu.memory_space<hbm>>) dst(%dma_wait3A_168 : memref<10000xf32, #tpu.memory_space<vmem>>)
      } else {
      }
      %scan3A_44 = arith.constant 1 : i32
      %scan3A_45 = arith.addi %scan3A_37, %scan3A_44 : i32
      %get3A_46 = arith.index_cast %arg0 : i32 to index
      %get3A_47 = memref.load %arg2[%get3A_46] : memref<32xi32, #tpu.memory_space<smem>>
      %lt3A_48 = arith.cmpi slt, %scan3A_45, %get3A_47 : i32
      %convert_element_type3A_49 = arith.extui %lt3A_48 : i1 to i32
      %cond3A_50 = arith.constant 0 : i32
      %cond3A_51 = arith.cmpi ne, %convert_element_type3A_49, %cond3A_50 : i32
      scf.if %cond3A_51 {
        %dma_wait3A = arith.constant 0 : i32
        %dma_wait3A_164 = tpu.memref_slice %arg11[%rem3A_0] : memref<4x!tpu.dma_semaphore, #tpu.memory_space<semaphore_mem>> -> memref<1x!tpu.dma_semaphore, #tpu.memory_space<semaphore_mem>>
        %dma_wait3A_165 = tpu.memref_squeeze %dma_wait3A_164 : memref<1x!tpu.dma_semaphore, #tpu.memory_space<semaphore_mem>> -> memref<!tpu.dma_semaphore, #tpu.memory_space<semaphore_mem>>
        %dma_wait3A_166 = arith.constant 0 : i32
        %dma_wait3A_167 = tpu.memref_slice %arg10[%rem3A_0, %scan3A_45, %dma_wait3A_166] : memref<4x128x10000xf32, #tpu.memory_space<vmem>> -> memref<1x1x10000xf32, #tpu.memory_space<vmem>>
        %dma_wait3A_168 = tpu.memref_squeeze %dma_wait3A_167 : memref<1x1x10000xf32, #tpu.memory_space<vmem>> -> memref<10000xf32, #tpu.memory_space<vmem>>
        %dma_wait3A_169 = arith.constant 0 : i32
        %dma_wait3A_170 = tpu.memref_slice %arg3[%dma_wait3A, %dma_wait3A_169] : memref<10000x10000xf32, #tpu.memory_space<hbm>> -> memref<1x10000xf32, #tpu.memory_space<hbm>>
        %dma_wait3A_171 = tpu.memref_squeeze %dma_wait3A_170 : memref<1x10000xf32, #tpu.memory_space<hbm>> -> memref<10000xf32, #tpu.memory_space<hbm>>
        tpu.wait_dma2 semaphore(%dma_wait3A_165 : memref<!tpu.dma_semaphore, #tpu.memory_space<semaphore_mem>>) src(%dma_wait3A_171 : memref<10000xf32, #tpu.memory_space<hbm>>) dst(%dma_wait3A_168 : memref<10000xf32, #tpu.memory_space<vmem>>)
      } else {
      }
      %scan3A_52 = arith.constant 2 : i32
      %scan3A_53 = arith.addi %scan3A_37, %scan3A_52 : i32
      %get3A_54 = arith.index_cast %arg0 : i32 to index
      %get3A_55 = memref.load %arg2[%get3A_54] : memref<32xi32, #tpu.memory_space<smem>>
      %lt3A_56 = arith.cmpi slt, %scan3A_53, %get3A_55 : i32
      %convert_element_type3A_57 = arith.extui %lt3A_56 : i1 to i32
      %cond3A_58 = arith.constant 0 : i32
      %cond3A_59 = arith.cmpi ne, %convert_element_type3A_57, %cond3A_58 : i32
      scf.if %cond3A_59 {
        %dma_wait3A = arith.constant 0 : i32
        %dma_wait3A_164 = tpu.memref_slice %arg11[%rem3A_0] : memref<4x!tpu.dma_semaphore, #tpu.memory_space<semaphore_mem>> -> memref<1x!tpu.dma_semaphore, #tpu.memory_space<semaphore_mem>>
        %dma_wait3A_165 = tpu.memref_squeeze %dma_wait3A_164 : memref<1x!tpu.dma_semaphore, #tpu.memory_space<semaphore_mem>> -> memref<!tpu.dma_semaphore, #tpu.memory_space<semaphore_mem>>
        %dma_wait3A_166 = arith.constant 0 : i32
        %dma_wait3A_167 = tpu.memref_slice %arg10[%rem3A_0, %scan3A_53, %dma_wait3A_166] : memref<4x128x10000xf32, #tpu.memory_space<vmem>> -> memref<1x1x10000xf32, #tpu.memory_space<vmem>>
        %dma_wait3A_168 = tpu.memref_squeeze %dma_wait3A_167 : memref<1x1x10000xf32, #tpu.memory_space<vmem>> -> memref<10000xf32, #tpu.memory_space<vmem>>
        %dma_wait3A_169 = arith.constant 0 : i32
        %dma_wait3A_170 = tpu.memref_slice %arg3[%dma_wait3A, %dma_wait3A_169] : memref<10000x10000xf32, #tpu.memory_space<hbm>> -> memref<1x10000xf32, #tpu.memory_space<hbm>>
        %dma_wait3A_171 = tpu.memref_squeeze %dma_wait3A_170 : memref<1x10000xf32, #tpu.memory_space<hbm>> -> memref<10000xf32, #tpu.memory_space<hbm>>
        tpu.wait_dma2 semaphore(%dma_wait3A_165 : memref<!tpu.dma_semaphore, #tpu.memory_space<semaphore_mem>>) src(%dma_wait3A_171 : memref<10000xf32, #tpu.memory_space<hbm>>) dst(%dma_wait3A_168 : memref<10000xf32, #tpu.memory_space<vmem>>)
      } else {
      }
      %scan3A_60 = arith.constant 3 : i32
      %scan3A_61 = arith.addi %scan3A_37, %scan3A_60 : i32
      %get3A_62 = arith.index_cast %arg0 : i32 to index
      %get3A_63 = memref.load %arg2[%get3A_62] : memref<32xi32, #tpu.memory_space<smem>>
      %lt3A_64 = arith.cmpi slt, %scan3A_61, %get3A_63 : i32
      %convert_element_type3A_65 = arith.extui %lt3A_64 : i1 to i32
      %cond3A_66 = arith.constant 0 : i32
      %cond3A_67 = arith.cmpi ne, %convert_element_type3A_65, %cond3A_66 : i32
      scf.if %cond3A_67 {
        %dma_wait3A = arith.constant 0 : i32
        %dma_wait3A_164 = tpu.memref_slice %arg11[%rem3A_0] : memref<4x!tpu.dma_semaphore, #tpu.memory_space<semaphore_mem>> -> memref<1x!tpu.dma_semaphore, #tpu.memory_space<semaphore_mem>>
        %dma_wait3A_165 = tpu.memref_squeeze %dma_wait3A_164 : memref<1x!tpu.dma_semaphore, #tpu.memory_space<semaphore_mem>> -> memref<!tpu.dma_semaphore, #tpu.memory_space<semaphore_mem>>
        %dma_wait3A_166 = arith.constant 0 : i32
        %dma_wait3A_167 = tpu.memref_slice %arg10[%rem3A_0, %scan3A_61, %dma_wait3A_166] : memref<4x128x10000xf32, #tpu.memory_space<vmem>> -> memref<1x1x10000xf32, #tpu.memory_space<vmem>>
        %dma_wait3A_168 = tpu.memref_squeeze %dma_wait3A_167 : memref<1x1x10000xf32, #tpu.memory_space<vmem>> -> memref<10000xf32, #tpu.memory_space<vmem>>
        %dma_wait3A_169 = arith.constant 0 : i32
        %dma_wait3A_170 = tpu.memref_slice %arg3[%dma_wait3A, %dma_wait3A_169] : memref<10000x10000xf32, #tpu.memory_space<hbm>> -> memref<1x10000xf32, #tpu.memory_space<hbm>>
        %dma_wait3A_171 = tpu.memref_squeeze %dma_wait3A_170 : memref<1x10000xf32, #tpu.memory_space<hbm>> -> memref<10000xf32, #tpu.memory_space<hbm>>
        tpu.wait_dma2 semaphore(%dma_wait3A_165 : memref<!tpu.dma_semaphore, #tpu.memory_space<semaphore_mem>>) src(%dma_wait3A_171 : memref<10000xf32, #tpu.memory_space<hbm>>) dst(%dma_wait3A_168 : memref<10000xf32, #tpu.memory_space<vmem>>)
      } else {
      }
      %scan3A_68 = arith.constant 4 : i32
      %scan3A_69 = arith.addi %scan3A_37, %scan3A_68 : i32
      %get3A_70 = arith.index_cast %arg0 : i32 to index
      %get3A_71 = memref.load %arg2[%get3A_70] : memref<32xi32, #tpu.memory_space<smem>>
      %lt3A_72 = arith.cmpi slt, %scan3A_69, %get3A_71 : i32
      %convert_element_type3A_73 = arith.extui %lt3A_72 : i1 to i32
      %cond3A_74 = arith.constant 0 : i32
      %cond3A_75 = arith.cmpi ne, %convert_element_type3A_73, %cond3A_74 : i32
      scf.if %cond3A_75 {
        %dma_wait3A = arith.constant 0 : i32
        %dma_wait3A_164 = tpu.memref_slice %arg11[%rem3A_0] : memref<4x!tpu.dma_semaphore, #tpu.memory_space<semaphore_mem>> -> memref<1x!tpu.dma_semaphore, #tpu.memory_space<semaphore_mem>>
        %dma_wait3A_165 = tpu.memref_squeeze %dma_wait3A_164 : memref<1x!tpu.dma_semaphore, #tpu.memory_space<semaphore_mem>> -> memref<!tpu.dma_semaphore, #tpu.memory_space<semaphore_mem>>
        %dma_wait3A_166 = arith.constant 0 : i32
        %dma_wait3A_167 = tpu.memref_slice %arg10[%rem3A_0, %scan3A_69, %dma_wait3A_166] : memref<4x128x10000xf32, #tpu.memory_space<vmem>> -> memref<1x1x10000xf32, #tpu.memory_space<vmem>>
        %dma_wait3A_168 = tpu.memref_squeeze %dma_wait3A_167 : memref<1x1x10000xf32, #tpu.memory_space<vmem>> -> memref<10000xf32, #tpu.memory_space<vmem>>
        %dma_wait3A_169 = arith.constant 0 : i32
        %dma_wait3A_170 = tpu.memref_slice %arg3[%dma_wait3A, %dma_wait3A_169] : memref<10000x10000xf32, #tpu.memory_space<hbm>> -> memref<1x10000xf32, #tpu.memory_space<hbm>>
        %dma_wait3A_171 = tpu.memref_squeeze %dma_wait3A_170 : memref<1x10000xf32, #tpu.memory_space<hbm>> -> memref<10000xf32, #tpu.memory_space<hbm>>
        tpu.wait_dma2 semaphore(%dma_wait3A_165 : memref<!tpu.dma_semaphore, #tpu.memory_space<semaphore_mem>>) src(%dma_wait3A_171 : memref<10000xf32, #tpu.memory_space<hbm>>) dst(%dma_wait3A_168 : memref<10000xf32, #tpu.memory_space<vmem>>)
      } else {
      }
      %scan3A_76 = arith.constant 5 : i32
      %scan3A_77 = arith.addi %scan3A_37, %scan3A_76 : i32
      %get3A_78 = arith.index_cast %arg0 : i32 to index
      %get3A_79 = memref.load %arg2[%get3A_78] : memref<32xi32, #tpu.memory_space<smem>>
      %lt3A_80 = arith.cmpi slt, %scan3A_77, %get3A_79 : i32
      %convert_element_type3A_81 = arith.extui %lt3A_80 : i1 to i32
      %cond3A_82 = arith.constant 0 : i32
      %cond3A_83 = arith.cmpi ne, %convert_element_type3A_81, %cond3A_82 : i32
      scf.if %cond3A_83 {
        %dma_wait3A = arith.constant 0 : i32
        %dma_wait3A_164 = tpu.memref_slice %arg11[%rem3A_0] : memref<4x!tpu.dma_semaphore, #tpu.memory_space<semaphore_mem>> -> memref<1x!tpu.dma_semaphore, #tpu.memory_space<semaphore_mem>>
        %dma_wait3A_165 = tpu.memref_squeeze %dma_wait3A_164 : memref<1x!tpu.dma_semaphore, #tpu.memory_space<semaphore_mem>> -> memref<!tpu.dma_semaphore, #tpu.memory_space<semaphore_mem>>
        %dma_wait3A_166 = arith.constant 0 : i32
        %dma_wait3A_167 = tpu.memref_slice %arg10[%rem3A_0, %scan3A_77, %dma_wait3A_166] : memref<4x128x10000xf32, #tpu.memory_space<vmem>> -> memref<1x1x10000xf32, #tpu.memory_space<vmem>>
        %dma_wait3A_168 = tpu.memref_squeeze %dma_wait3A_167 : memref<1x1x10000xf32, #tpu.memory_space<vmem>> -> memref<10000xf32, #tpu.memory_space<vmem>>
        %dma_wait3A_169 = arith.constant 0 : i32
        %dma_wait3A_170 = tpu.memref_slice %arg3[%dma_wait3A, %dma_wait3A_169] : memref<10000x10000xf32, #tpu.memory_space<hbm>> -> memref<1x10000xf32, #tpu.memory_space<hbm>>
        %dma_wait3A_171 = tpu.memref_squeeze %dma_wait3A_170 : memref<1x10000xf32, #tpu.memory_space<hbm>> -> memref<10000xf32, #tpu.memory_space<hbm>>
        tpu.wait_dma2 semaphore(%dma_wait3A_165 : memref<!tpu.dma_semaphore, #tpu.memory_space<semaphore_mem>>) src(%dma_wait3A_171 : memref<10000xf32, #tpu.memory_space<hbm>>) dst(%dma_wait3A_168 : memref<10000xf32, #tpu.memory_space<vmem>>)
      } else {
      }
      %scan3A_84 = arith.constant 6 : i32
      %scan3A_85 = arith.addi %scan3A_37, %scan3A_84 : i32
      %get3A_86 = arith.index_cast %arg0 : i32 to index
      %get3A_87 = memref.load %arg2[%get3A_86] : memref<32xi32, #tpu.memory_space<smem>>
      %lt3A_88 = arith.cmpi slt, %scan3A_85, %get3A_87 : i32
      %convert_element_type3A_89 = arith.extui %lt3A_88 : i1 to i32
      %cond3A_90 = arith.constant 0 : i32
      %cond3A_91 = arith.cmpi ne, %convert_element_type3A_89, %cond3A_90 : i32
      scf.if %cond3A_91 {
        %dma_wait3A = arith.constant 0 : i32
        %dma_wait3A_164 = tpu.memref_slice %arg11[%rem3A_0] : memref<4x!tpu.dma_semaphore, #tpu.memory_space<semaphore_mem>> -> memref<1x!tpu.dma_semaphore, #tpu.memory_space<semaphore_mem>>
        %dma_wait3A_165 = tpu.memref_squeeze %dma_wait3A_164 : memref<1x!tpu.dma_semaphore, #tpu.memory_space<semaphore_mem>> -> memref<!tpu.dma_semaphore, #tpu.memory_space<semaphore_mem>>
        %dma_wait3A_166 = arith.constant 0 : i32
        %dma_wait3A_167 = tpu.memref_slice %arg10[%rem3A_0, %scan3A_85, %dma_wait3A_166] : memref<4x128x10000xf32, #tpu.memory_space<vmem>> -> memref<1x1x10000xf32, #tpu.memory_space<vmem>>
        %dma_wait3A_168 = tpu.memref_squeeze %dma_wait3A_167 : memref<1x1x10000xf32, #tpu.memory_space<vmem>> -> memref<10000xf32, #tpu.memory_space<vmem>>
        %dma_wait3A_169 = arith.constant 0 : i32
        %dma_wait3A_170 = tpu.memref_slice %arg3[%dma_wait3A, %dma_wait3A_169] : memref<10000x10000xf32, #tpu.memory_space<hbm>> -> memref<1x10000xf32, #tpu.memory_space<hbm>>
        %dma_wait3A_171 = tpu.memref_squeeze %dma_wait3A_170 : memref<1x10000xf32, #tpu.memory_space<hbm>> -> memref<10000xf32, #tpu.memory_space<hbm>>
        tpu.wait_dma2 semaphore(%dma_wait3A_165 : memref<!tpu.dma_semaphore, #tpu.memory_space<semaphore_mem>>) src(%dma_wait3A_171 : memref<10000xf32, #tpu.memory_space<hbm>>) dst(%dma_wait3A_168 : memref<10000xf32, #tpu.memory_space<vmem>>)
      } else {
      }
      %scan3A_92 = arith.constant 7 : i32
      %scan3A_93 = arith.addi %scan3A_37, %scan3A_92 : i32
      %get3A_94 = arith.index_cast %arg0 : i32 to index
      %get3A_95 = memref.load %arg2[%get3A_94] : memref<32xi32, #tpu.memory_space<smem>>
      %lt3A_96 = arith.cmpi slt, %scan3A_93, %get3A_95 : i32
      %convert_element_type3A_97 = arith.extui %lt3A_96 : i1 to i32
      %cond3A_98 = arith.constant 0 : i32
      %cond3A_99 = arith.cmpi ne, %convert_element_type3A_97, %cond3A_98 : i32
      scf.if %cond3A_99 {
        %dma_wait3A = arith.constant 0 : i32
        %dma_wait3A_164 = tpu.memref_slice %arg11[%rem3A_0] : memref<4x!tpu.dma_semaphore, #tpu.memory_space<semaphore_mem>> -> memref<1x!tpu.dma_semaphore, #tpu.memory_space<semaphore_mem>>
        %dma_wait3A_165 = tpu.memref_squeeze %dma_wait3A_164 : memref<1x!tpu.dma_semaphore, #tpu.memory_space<semaphore_mem>> -> memref<!tpu.dma_semaphore, #tpu.memory_space<semaphore_mem>>
        %dma_wait3A_166 = arith.constant 0 : i32
        %dma_wait3A_167 = tpu.memref_slice %arg10[%rem3A_0, %scan3A_93, %dma_wait3A_166] : memref<4x128x10000xf32, #tpu.memory_space<vmem>> -> memref<1x1x10000xf32, #tpu.memory_space<vmem>>
        %dma_wait3A_168 = tpu.memref_squeeze %dma_wait3A_167 : memref<1x1x10000xf32, #tpu.memory_space<vmem>> -> memref<10000xf32, #tpu.memory_space<vmem>>
        %dma_wait3A_169 = arith.constant 0 : i32
        %dma_wait3A_170 = tpu.memref_slice %arg3[%dma_wait3A, %dma_wait3A_169] : memref<10000x10000xf32, #tpu.memory_space<hbm>> -> memref<1x10000xf32, #tpu.memory_space<hbm>>
        %dma_wait3A_171 = tpu.memref_squeeze %dma_wait3A_170 : memref<1x10000xf32, #tpu.memory_space<hbm>> -> memref<10000xf32, #tpu.memory_space<hbm>>
        tpu.wait_dma2 semaphore(%dma_wait3A_165 : memref<!tpu.dma_semaphore, #tpu.memory_space<semaphore_mem>>) src(%dma_wait3A_171 : memref<10000xf32, #tpu.memory_space<hbm>>) dst(%dma_wait3A_168 : memref<10000xf32, #tpu.memory_space<vmem>>)
      } else {
      }
      %scan3A_100 = arith.constant 8 : i32
      %scan3A_101 = arith.addi %scan3A_37, %scan3A_100 : i32
      %get3A_102 = arith.index_cast %arg0 : i32 to index
      %get3A_103 = memref.load %arg2[%get3A_102] : memref<32xi32, #tpu.memory_space<smem>>
      %lt3A_104 = arith.cmpi slt, %scan3A_101, %get3A_103 : i32
      %convert_element_type3A_105 = arith.extui %lt3A_104 : i1 to i32
      %cond3A_106 = arith.constant 0 : i32
      %cond3A_107 = arith.cmpi ne, %convert_element_type3A_105, %cond3A_106 : i32
      scf.if %cond3A_107 {
        %dma_wait3A = arith.constant 0 : i32
        %dma_wait3A_164 = tpu.memref_slice %arg11[%rem3A_0] : memref<4x!tpu.dma_semaphore, #tpu.memory_space<semaphore_mem>> -> memref<1x!tpu.dma_semaphore, #tpu.memory_space<semaphore_mem>>
        %dma_wait3A_165 = tpu.memref_squeeze %dma_wait3A_164 : memref<1x!tpu.dma_semaphore, #tpu.memory_space<semaphore_mem>> -> memref<!tpu.dma_semaphore, #tpu.memory_space<semaphore_mem>>
        %dma_wait3A_166 = arith.constant 0 : i32
        %dma_wait3A_167 = tpu.memref_slice %arg10[%rem3A_0, %scan3A_101, %dma_wait3A_166] : memref<4x128x10000xf32, #tpu.memory_space<vmem>> -> memref<1x1x10000xf32, #tpu.memory_space<vmem>>
        %dma_wait3A_168 = tpu.memref_squeeze %dma_wait3A_167 : memref<1x1x10000xf32, #tpu.memory_space<vmem>> -> memref<10000xf32, #tpu.memory_space<vmem>>
        %dma_wait3A_169 = arith.constant 0 : i32
        %dma_wait3A_170 = tpu.memref_slice %arg3[%dma_wait3A, %dma_wait3A_169] : memref<10000x10000xf32, #tpu.memory_space<hbm>> -> memref<1x10000xf32, #tpu.memory_space<hbm>>
        %dma_wait3A_171 = tpu.memref_squeeze %dma_wait3A_170 : memref<1x10000xf32, #tpu.memory_space<hbm>> -> memref<10000xf32, #tpu.memory_space<hbm>>
        tpu.wait_dma2 semaphore(%dma_wait3A_165 : memref<!tpu.dma_semaphore, #tpu.memory_space<semaphore_mem>>) src(%dma_wait3A_171 : memref<10000xf32, #tpu.memory_space<hbm>>) dst(%dma_wait3A_168 : memref<10000xf32, #tpu.memory_space<vmem>>)
      } else {
      }
      %scan3A_108 = arith.constant 9 : i32
      %scan3A_109 = arith.addi %scan3A_37, %scan3A_108 : i32
      %get3A_110 = arith.index_cast %arg0 : i32 to index
      %get3A_111 = memref.load %arg2[%get3A_110] : memref<32xi32, #tpu.memory_space<smem>>
      %lt3A_112 = arith.cmpi slt, %scan3A_109, %get3A_111 : i32
      %convert_element_type3A_113 = arith.extui %lt3A_112 : i1 to i32
      %cond3A_114 = arith.constant 0 : i32
      %cond3A_115 = arith.cmpi ne, %convert_element_type3A_113, %cond3A_114 : i32
      scf.if %cond3A_115 {
        %dma_wait3A = arith.constant 0 : i32
        %dma_wait3A_164 = tpu.memref_slice %arg11[%rem3A_0] : memref<4x!tpu.dma_semaphore, #tpu.memory_space<semaphore_mem>> -> memref<1x!tpu.dma_semaphore, #tpu.memory_space<semaphore_mem>>
        %dma_wait3A_165 = tpu.memref_squeeze %dma_wait3A_164 : memref<1x!tpu.dma_semaphore, #tpu.memory_space<semaphore_mem>> -> memref<!tpu.dma_semaphore, #tpu.memory_space<semaphore_mem>>
        %dma_wait3A_166 = arith.constant 0 : i32
        %dma_wait3A_167 = tpu.memref_slice %arg10[%rem3A_0, %scan3A_109, %dma_wait3A_166] : memref<4x128x10000xf32, #tpu.memory_space<vmem>> -> memref<1x1x10000xf32, #tpu.memory_space<vmem>>
        %dma_wait3A_168 = tpu.memref_squeeze %dma_wait3A_167 : memref<1x1x10000xf32, #tpu.memory_space<vmem>> -> memref<10000xf32, #tpu.memory_space<vmem>>
        %dma_wait3A_169 = arith.constant 0 : i32
        %dma_wait3A_170 = tpu.memref_slice %arg3[%dma_wait3A, %dma_wait3A_169] : memref<10000x10000xf32, #tpu.memory_space<hbm>> -> memref<1x10000xf32, #tpu.memory_space<hbm>>
        %dma_wait3A_171 = tpu.memref_squeeze %dma_wait3A_170 : memref<1x10000xf32, #tpu.memory_space<hbm>> -> memref<10000xf32, #tpu.memory_space<hbm>>
        tpu.wait_dma2 semaphore(%dma_wait3A_165 : memref<!tpu.dma_semaphore, #tpu.memory_space<semaphore_mem>>) src(%dma_wait3A_171 : memref<10000xf32, #tpu.memory_space<hbm>>) dst(%dma_wait3A_168 : memref<10000xf32, #tpu.memory_space<vmem>>)
      } else {
      }
      %scan3A_116 = arith.constant 10 : i32
      %scan3A_117 = arith.addi %scan3A_37, %scan3A_116 : i32
      %get3A_118 = arith.index_cast %arg0 : i32 to index
      %get3A_119 = memref.load %arg2[%get3A_118] : memref<32xi32, #tpu.memory_space<smem>>
      %lt3A_120 = arith.cmpi slt, %scan3A_117, %get3A_119 : i32
      %convert_element_type3A_121 = arith.extui %lt3A_120 : i1 to i32
      %cond3A_122 = arith.constant 0 : i32
      %cond3A_123 = arith.cmpi ne, %convert_element_type3A_121, %cond3A_122 : i32
      scf.if %cond3A_123 {
        %dma_wait3A = arith.constant 0 : i32
        %dma_wait3A_164 = tpu.memref_slice %arg11[%rem3A_0] : memref<4x!tpu.dma_semaphore, #tpu.memory_space<semaphore_mem>> -> memref<1x!tpu.dma_semaphore, #tpu.memory_space<semaphore_mem>>
        %dma_wait3A_165 = tpu.memref_squeeze %dma_wait3A_164 : memref<1x!tpu.dma_semaphore, #tpu.memory_space<semaphore_mem>> -> memref<!tpu.dma_semaphore, #tpu.memory_space<semaphore_mem>>
        %dma_wait3A_166 = arith.constant 0 : i32
        %dma_wait3A_167 = tpu.memref_slice %arg10[%rem3A_0, %scan3A_117, %dma_wait3A_166] : memref<4x128x10000xf32, #tpu.memory_space<vmem>> -> memref<1x1x10000xf32, #tpu.memory_space<vmem>>
        %dma_wait3A_168 = tpu.memref_squeeze %dma_wait3A_167 : memref<1x1x10000xf32, #tpu.memory_space<vmem>> -> memref<10000xf32, #tpu.memory_space<vmem>>
        %dma_wait3A_169 = arith.constant 0 : i32
        %dma_wait3A_170 = tpu.memref_slice %arg3[%dma_wait3A, %dma_wait3A_169] : memref<10000x10000xf32, #tpu.memory_space<hbm>> -> memref<1x10000xf32, #tpu.memory_space<hbm>>
        %dma_wait3A_171 = tpu.memref_squeeze %dma_wait3A_170 : memref<1x10000xf32, #tpu.memory_space<hbm>> -> memref<10000xf32, #tpu.memory_space<hbm>>
        tpu.wait_dma2 semaphore(%dma_wait3A_165 : memref<!tpu.dma_semaphore, #tpu.memory_space<semaphore_mem>>) src(%dma_wait3A_171 : memref<10000xf32, #tpu.memory_space<hbm>>) dst(%dma_wait3A_168 : memref<10000xf32, #tpu.memory_space<vmem>>)
      } else {
      }
      %scan3A_124 = arith.constant 11 : i32
      %scan3A_125 = arith.addi %scan3A_37, %scan3A_124 : i32
      %get3A_126 = arith.index_cast %arg0 : i32 to index
      %get3A_127 = memref.load %arg2[%get3A_126] : memref<32xi32, #tpu.memory_space<smem>>
      %lt3A_128 = arith.cmpi slt, %scan3A_125, %get3A_127 : i32
      %convert_element_type3A_129 = arith.extui %lt3A_128 : i1 to i32
      %cond3A_130 = arith.constant 0 : i32
      %cond3A_131 = arith.cmpi ne, %convert_element_type3A_129, %cond3A_130 : i32
      scf.if %cond3A_131 {
        %dma_wait3A = arith.constant 0 : i32
        %dma_wait3A_164 = tpu.memref_slice %arg11[%rem3A_0] : memref<4x!tpu.dma_semaphore, #tpu.memory_space<semaphore_mem>> -> memref<1x!tpu.dma_semaphore, #tpu.memory_space<semaphore_mem>>
        %dma_wait3A_165 = tpu.memref_squeeze %dma_wait3A_164 : memref<1x!tpu.dma_semaphore, #tpu.memory_space<semaphore_mem>> -> memref<!tpu.dma_semaphore, #tpu.memory_space<semaphore_mem>>
        %dma_wait3A_166 = arith.constant 0 : i32
        %dma_wait3A_167 = tpu.memref_slice %arg10[%rem3A_0, %scan3A_125, %dma_wait3A_166] : memref<4x128x10000xf32, #tpu.memory_space<vmem>> -> memref<1x1x10000xf32, #tpu.memory_space<vmem>>
        %dma_wait3A_168 = tpu.memref_squeeze %dma_wait3A_167 : memref<1x1x10000xf32, #tpu.memory_space<vmem>> -> memref<10000xf32, #tpu.memory_space<vmem>>
        %dma_wait3A_169 = arith.constant 0 : i32
        %dma_wait3A_170 = tpu.memref_slice %arg3[%dma_wait3A, %dma_wait3A_169] : memref<10000x10000xf32, #tpu.memory_space<hbm>> -> memref<1x10000xf32, #tpu.memory_space<hbm>>
        %dma_wait3A_171 = tpu.memref_squeeze %dma_wait3A_170 : memref<1x10000xf32, #tpu.memory_space<hbm>> -> memref<10000xf32, #tpu.memory_space<hbm>>
        tpu.wait_dma2 semaphore(%dma_wait3A_165 : memref<!tpu.dma_semaphore, #tpu.memory_space<semaphore_mem>>) src(%dma_wait3A_171 : memref<10000xf32, #tpu.memory_space<hbm>>) dst(%dma_wait3A_168 : memref<10000xf32, #tpu.memory_space<vmem>>)
      } else {
      }
      %scan3A_132 = arith.constant 12 : i32
      %scan3A_133 = arith.addi %scan3A_37, %scan3A_132 : i32
      %get3A_134 = arith.index_cast %arg0 : i32 to index
      %get3A_135 = memref.load %arg2[%get3A_134] : memref<32xi32, #tpu.memory_space<smem>>
      %lt3A_136 = arith.cmpi slt, %scan3A_133, %get3A_135 : i32
      %convert_element_type3A_137 = arith.extui %lt3A_136 : i1 to i32
      %cond3A_138 = arith.constant 0 : i32
      %cond3A_139 = arith.cmpi ne, %convert_element_type3A_137, %cond3A_138 : i32
      scf.if %cond3A_139 {
        %dma_wait3A = arith.constant 0 : i32
        %dma_wait3A_164 = tpu.memref_slice %arg11[%rem3A_0] : memref<4x!tpu.dma_semaphore, #tpu.memory_space<semaphore_mem>> -> memref<1x!tpu.dma_semaphore, #tpu.memory_space<semaphore_mem>>
        %dma_wait3A_165 = tpu.memref_squeeze %dma_wait3A_164 : memref<1x!tpu.dma_semaphore, #tpu.memory_space<semaphore_mem>> -> memref<!tpu.dma_semaphore, #tpu.memory_space<semaphore_mem>>
        %dma_wait3A_166 = arith.constant 0 : i32
        %dma_wait3A_167 = tpu.memref_slice %arg10[%rem3A_0, %scan3A_133, %dma_wait3A_166] : memref<4x128x10000xf32, #tpu.memory_space<vmem>> -> memref<1x1x10000xf32, #tpu.memory_space<vmem>>
        %dma_wait3A_168 = tpu.memref_squeeze %dma_wait3A_167 : memref<1x1x10000xf32, #tpu.memory_space<vmem>> -> memref<10000xf32, #tpu.memory_space<vmem>>
        %dma_wait3A_169 = arith.constant 0 : i32
        %dma_wait3A_170 = tpu.memref_slice %arg3[%dma_wait3A, %dma_wait3A_169] : memref<10000x10000xf32, #tpu.memory_space<hbm>> -> memref<1x10000xf32, #tpu.memory_space<hbm>>
        %dma_wait3A_171 = tpu.memref_squeeze %dma_wait3A_170 : memref<1x10000xf32, #tpu.memory_space<hbm>> -> memref<10000xf32, #tpu.memory_space<hbm>>
        tpu.wait_dma2 semaphore(%dma_wait3A_165 : memref<!tpu.dma_semaphore, #tpu.memory_space<semaphore_mem>>) src(%dma_wait3A_171 : memref<10000xf32, #tpu.memory_space<hbm>>) dst(%dma_wait3A_168 : memref<10000xf32, #tpu.memory_space<vmem>>)
      } else {
      }
      %scan3A_140 = arith.constant 13 : i32
      %scan3A_141 = arith.addi %scan3A_37, %scan3A_140 : i32
      %get3A_142 = arith.index_cast %arg0 : i32 to index
      %get3A_143 = memref.load %arg2[%get3A_142] : memref<32xi32, #tpu.memory_space<smem>>
      %lt3A_144 = arith.cmpi slt, %scan3A_141, %get3A_143 : i32
      %convert_element_type3A_145 = arith.extui %lt3A_144 : i1 to i32
      %cond3A_146 = arith.constant 0 : i32
      %cond3A_147 = arith.cmpi ne, %convert_element_type3A_145, %cond3A_146 : i32
      scf.if %cond3A_147 {
        %dma_wait3A = arith.constant 0 : i32
        %dma_wait3A_164 = tpu.memref_slice %arg11[%rem3A_0] : memref<4x!tpu.dma_semaphore, #tpu.memory_space<semaphore_mem>> -> memref<1x!tpu.dma_semaphore, #tpu.memory_space<semaphore_mem>>
        %dma_wait3A_165 = tpu.memref_squeeze %dma_wait3A_164 : memref<1x!tpu.dma_semaphore, #tpu.memory_space<semaphore_mem>> -> memref<!tpu.dma_semaphore, #tpu.memory_space<semaphore_mem>>
        %dma_wait3A_166 = arith.constant 0 : i32
        %dma_wait3A_167 = tpu.memref_slice %arg10[%rem3A_0, %scan3A_141, %dma_wait3A_166] : memref<4x128x10000xf32, #tpu.memory_space<vmem>> -> memref<1x1x10000xf32, #tpu.memory_space<vmem>>
        %dma_wait3A_168 = tpu.memref_squeeze %dma_wait3A_167 : memref<1x1x10000xf32, #tpu.memory_space<vmem>> -> memref<10000xf32, #tpu.memory_space<vmem>>
        %dma_wait3A_169 = arith.constant 0 : i32
        %dma_wait3A_170 = tpu.memref_slice %arg3[%dma_wait3A, %dma_wait3A_169] : memref<10000x10000xf32, #tpu.memory_space<hbm>> -> memref<1x10000xf32, #tpu.memory_space<hbm>>
        %dma_wait3A_171 = tpu.memref_squeeze %dma_wait3A_170 : memref<1x10000xf32, #tpu.memory_space<hbm>> -> memref<10000xf32, #tpu.memory_space<hbm>>
        tpu.wait_dma2 semaphore(%dma_wait3A_165 : memref<!tpu.dma_semaphore, #tpu.memory_space<semaphore_mem>>) src(%dma_wait3A_171 : memref<10000xf32, #tpu.memory_space<hbm>>) dst(%dma_wait3A_168 : memref<10000xf32, #tpu.memory_space<vmem>>)
      } else {
      }
      %scan3A_148 = arith.constant 14 : i32
      %scan3A_149 = arith.addi %scan3A_37, %scan3A_148 : i32
      %get3A_150 = arith.index_cast %arg0 : i32 to index
      %get3A_151 = memref.load %arg2[%get3A_150] : memref<32xi32, #tpu.memory_space<smem>>
      %lt3A_152 = arith.cmpi slt, %scan3A_149, %get3A_151 : i32
      %convert_element_type3A_153 = arith.extui %lt3A_152 : i1 to i32
      %cond3A_154 = arith.constant 0 : i32
      %cond3A_155 = arith.cmpi ne, %convert_element_type3A_153, %cond3A_154 : i32
      scf.if %cond3A_155 {
        %dma_wait3A = arith.constant 0 : i32
        %dma_wait3A_164 = tpu.memref_slice %arg11[%rem3A_0] : memref<4x!tpu.dma_semaphore, #tpu.memory_space<semaphore_mem>> -> memref<1x!tpu.dma_semaphore, #tpu.memory_space<semaphore_mem>>
        %dma_wait3A_165 = tpu.memref_squeeze %dma_wait3A_164 : memref<1x!tpu.dma_semaphore, #tpu.memory_space<semaphore_mem>> -> memref<!tpu.dma_semaphore, #tpu.memory_space<semaphore_mem>>
        %dma_wait3A_166 = arith.constant 0 : i32
        %dma_wait3A_167 = tpu.memref_slice %arg10[%rem3A_0, %scan3A_149, %dma_wait3A_166] : memref<4x128x10000xf32, #tpu.memory_space<vmem>> -> memref<1x1x10000xf32, #tpu.memory_space<vmem>>
        %dma_wait3A_168 = tpu.memref_squeeze %dma_wait3A_167 : memref<1x1x10000xf32, #tpu.memory_space<vmem>> -> memref<10000xf32, #tpu.memory_space<vmem>>
        %dma_wait3A_169 = arith.constant 0 : i32
        %dma_wait3A_170 = tpu.memref_slice %arg3[%dma_wait3A, %dma_wait3A_169] : memref<10000x10000xf32, #tpu.memory_space<hbm>> -> memref<1x10000xf32, #tpu.memory_space<hbm>>
        %dma_wait3A_171 = tpu.memref_squeeze %dma_wait3A_170 : memref<1x10000xf32, #tpu.memory_space<hbm>> -> memref<10000xf32, #tpu.memory_space<hbm>>
        tpu.wait_dma2 semaphore(%dma_wait3A_165 : memref<!tpu.dma_semaphore, #tpu.memory_space<semaphore_mem>>) src(%dma_wait3A_171 : memref<10000xf32, #tpu.memory_space<hbm>>) dst(%dma_wait3A_168 : memref<10000xf32, #tpu.memory_space<vmem>>)
      } else {
      }
      %scan3A_156 = arith.constant 15 : i32
      %scan3A_157 = arith.addi %scan3A_37, %scan3A_156 : i32
      %get3A_158 = arith.index_cast %arg0 : i32 to index
      %get3A_159 = memref.load %arg2[%get3A_158] : memref<32xi32, #tpu.memory_space<smem>>
      %lt3A_160 = arith.cmpi slt, %scan3A_157, %get3A_159 : i32
      %convert_element_type3A_161 = arith.extui %lt3A_160 : i1 to i32
      %cond3A_162 = arith.constant 0 : i32
      %cond3A_163 = arith.cmpi ne, %convert_element_type3A_161, %cond3A_162 : i32
      scf.if %cond3A_163 {
        %dma_wait3A = arith.constant 0 : i32
        %dma_wait3A_164 = tpu.memref_slice %arg11[%rem3A_0] : memref<4x!tpu.dma_semaphore, #tpu.memory_space<semaphore_mem>> -> memref<1x!tpu.dma_semaphore, #tpu.memory_space<semaphore_mem>>
        %dma_wait3A_165 = tpu.memref_squeeze %dma_wait3A_164 : memref<1x!tpu.dma_semaphore, #tpu.memory_space<semaphore_mem>> -> memref<!tpu.dma_semaphore, #tpu.memory_space<semaphore_mem>>
        %dma_wait3A_166 = arith.constant 0 : i32
        %dma_wait3A_167 = tpu.memref_slice %arg10[%rem3A_0, %scan3A_157, %dma_wait3A_166] : memref<4x128x10000xf32, #tpu.memory_space<vmem>> -> memref<1x1x10000xf32, #tpu.memory_space<vmem>>
        %dma_wait3A_168 = tpu.memref_squeeze %dma_wait3A_167 : memref<1x1x10000xf32, #tpu.memory_space<vmem>> -> memref<10000xf32, #tpu.memory_space<vmem>>
        %dma_wait3A_169 = arith.constant 0 : i32
        %dma_wait3A_170 = tpu.memref_slice %arg3[%dma_wait3A, %dma_wait3A_169] : memref<10000x10000xf32, #tpu.memory_space<hbm>> -> memref<1x10000xf32, #tpu.memory_space<hbm>>
        %dma_wait3A_171 = tpu.memref_squeeze %dma_wait3A_170 : memref<1x10000xf32, #tpu.memory_space<hbm>> -> memref<10000xf32, #tpu.memory_space<hbm>>
        tpu.wait_dma2 semaphore(%dma_wait3A_165 : memref<!tpu.dma_semaphore, #tpu.memory_space<semaphore_mem>>) src(%dma_wait3A_171 : memref<10000xf32, #tpu.memory_space<hbm>>) dst(%dma_wait3A_168 : memref<10000xf32, #tpu.memory_space<vmem>>)
      } else {
      }
    }
    %scan3A_12 = arith.constant 128 : i32
    %get3A = arith.index_cast %rem3A_0 : i32 to index
    %get3A_13 = arith.constant 0 : index
    %get3A_14 = arith.constant 0 : index
    %get3A_15 = vector.load %arg10[%get3A, %get3A_13, %get3A_14] : memref<4x128x10000xf32, #tpu.memory_space<vmem>>, vector<1x128x10000xf32>
    %get3A_16 = vector.shape_cast %get3A_15 : vector<1x128x10000xf32> to vector<128x10000xf32>
    %convert_element_type3A_17 = arith.truncf %get3A_16 : vector<128x10000xf32> to vector<128x10000xbf16>
    %get3A_18 = arith.constant 0 : index
    %get3A_19 = arith.constant 0 : index
    %get3A_20 = vector.load %arg9[%get3A_18, %get3A_19] : memref<10000x128xbf16, #tpu.memory_space<vmem>>, vector<10000x128xbf16>
    %dot_general3A = arith.constant dense<0.000000e+00> : vector<128x128xf32>
    %dot_general3A_21 = tpu.matmul %convert_element_type3A_17, %get3A_20, %dot_general3A {dimension_numbers = #tpu.dot_dimension_numbers<[1], [0], [0], [1], [0, 0, 1, 1], [], []>, transpose_lhs_hint = false} : vector<128x10000xbf16>, vector<10000x128xbf16>, vector<128x128xf32> -> vector<128x128xf32>
    %is_finite3A = tpu.weird %dot_general3A_21 : vector<128x128xf32> -> vector<128x128xi1>
    %is_finite3A_22 = arith.constant dense<true> : vector<128x128xi1>
    %is_finite3A_23 = arith.xori %is_finite3A, %is_finite3A_22 : vector<128x128xi1>
    %jit3A = arith.constant 0.000000e+00 : f32
    %broadcast_in_dim3A = vector.broadcast %jit3A : f32 to vector<128x128xf32>
    %select_n3A = arith.select %is_finite3A_23, %dot_general3A_21, %broadcast_in_dim3A : vector<128x128xi1>, vector<128x128xf32>
    %iota3A = tpu.iota {dimensions = array<i32: 0>} : vector<128x128xi32>
    %get3A_24 = arith.constant 0 : index
    %get3A_25 = arith.constant 0 : index
    %get3A_26 = arith.constant 0 : index
    %get3A_27 = vector.load %arg7[%get3A_24, %get3A_25, %get3A_26] : memref<1x1x128xi32, #tpu.memory_space<vmem>>, vector<1x1x128xi32>
    %get3A_28 = vector.shape_cast %get3A_27 : vector<1x1x128xi32> to vector<1x128xi32>
    %eq3A_29 = vector.broadcast %get3A_28 : vector<1x128xi32> to vector<128x128xi32>
    %eq3A_30 = arith.cmpi eq, %eq3A_29, %iota3A : vector<128x128xi32>
    %convert_element_type3A_31 = arith.extui %eq3A_30 : vector<128x128xi1> to vector<128x128xi32>
    %convert_element_type3A_32 = arith.sitofp %convert_element_type3A_31 : vector<128x128xi32> to vector<128x128xf32>
    %dot_general3A_33 = arith.constant dense<0.000000e+00> : vector<128x128xf32>
    %dot_general3A_34 = tpu.matmul %convert_element_type3A_32, %select_n3A, %dot_general3A_33 {dimension_numbers = #tpu.dot_dimension_numbers<[0], [0], [1], [1], [0, 1, 1, 1], [], []>, transpose_lhs_hint = false} : vector<128x128xf32>, vector<128x128xf32>, vector<128x128xf32> -> vector<128x128xf32>
    %swap3A = arith.constant 0 : index
    %swap3A_35 = arith.constant 0 : index
    %swap3A_36 = vector.load %arg8[%swap3A, %swap3A_35] : memref<128x128xf32, #tpu.memory_space<vmem>>, vector<128x128xf32>
    tpu.vector_store %arg8[%swap3A, %swap3A_35], %dot_general3A_34 {strides = array<i32>} : memref<128x128xf32, #tpu.memory_space<vmem>>, vector<128x128xf32>,
    return
  }
  func.func @transform_1(%arg0: i32, %arg1: memref<4096xi32, #tpu.memory_space<smem>>, %arg2: memref<32xi32, #tpu.memory_space<smem>>) -> (i32, i32) {
    %c0_i32 = arith.constant 0 : i32
    %c0_i32_0 = arith.constant 0 : i32
    %c0_i32_1 = arith.constant 0 : i32
    return %c0_i32, %c0_i32_0 : i32, i32
  }
  func.func @transform_2(%arg0: i32, %arg1: memref<4096xi32, #tpu.memory_space<smem>>, %arg2: memref<32xi32, #tpu.memory_space<smem>>) -> (i32, i32) {
    %c0_i32 = arith.constant 0 : i32
    %c0_i32_0 = arith.constant 0 : i32
    %c0_i32_1 = arith.constant 0 : i32
    return %c0_i32, %c0_i32_0 : i32, i32
  }
  func.func @transform_3(%arg0: i32, %arg1: memref<4096xi32, #tpu.memory_space<smem>>, %arg2: memref<32xi32, #tpu.memory_space<smem>>) -> (i32, i32) {
    %c0_i32 = arith.constant 0 : i32
    %c0_i32_0 = arith.constant 0 : i32
    %c0_i32_1 = arith.constant 0 : i32
    return %c0_i32, %c0_i32_0 : i32, i32
  }
  func.func @transform_4(%arg0: i32, %arg1: memref<4096xi32, #tpu.memory_space<smem>>, %arg2: memref<32xi32, #tpu.memory_space<smem>>) -> (i32, i32, i32) {
    %c0_i32 = arith.constant 0 : i32
    %c0_i32_0 = arith.constant 0 : i32
    %c0_i32_1 = arith.constant 0 : i32
    return %arg0, %c0_i32, %c0_i32_0 : i32, i32, i32
  }
  func.func @transform_5(%arg0: i32, %arg1: memref<4096xi32, #tpu.memory_space<smem>>, %arg2: memref<32xi32, #tpu.memory_space<smem>>) -> (i32, i32) {
    %c0_i32 = arith.constant 0 : i32
    %c0_i32_0 = arith.constant 0 : i32
    return %arg0, %c0_i32 : i32, i32
  }
}

</mosaic_0001>

<sc_bundles>
// kernel: gather_offload_async_start
scs
__scs_entry_jumppad:
0x0: {  	(pc) =	sbr.rel $0x88, $3  }
0x1: {  	(tag) =	ssettag $0x0;
	lr =	simm.s32 $0x1  }
0x2: {  	[smem:$0x3F9C] =	sst lr;
	_ =	strace $0xD0000000  }
0x3: {  	_ = 	snop  }
0x4: {  	_ = 	snop  }
0x5: {  	_ = 	snop  }
0x6: {  	_ = 	snop  }
0x7: {  	_ = 	snop  }
__scs_overlays_trampoline_lowered:
0x8: {  	[smem:$0x3FAB] =	sst s0  }
0x9: {  	[smem:$0x3FAC] =	sst s1  }
0xa: {  	[smem:$0x3FAD] =	sst s2  }
0xb: {  	[smem:$0x3FAE] =	sst s3  }
0xc: {  	[smem:$0x3FAF] =	sst s4  }
0xd: {  	[smem:$0x3FB0] =	sst s5  }
0xe: {  	[smem:$0x3FB1] =	sst s6  }
0xf: {  	[smem:$0x3FB2] =	sst s7  }
0x10: {  	[smem:$0x3FB3] =	sst s8  }
0x11: {  	[smem:$0x3FB4] =	sst s9;
	s0 =	simm.s32 @!p0 $0x0  }
0x12: {  	s1 =	sld [smem:$0x3F9A];
	s0 =	simm.s32 @p0 $0x1  }
0x13: {  	[smem:$0x3FB5] =	sst s0;
	s0 =	simm.s32 @!p1 $0x0  }
0x14: {  	s2 =	sld [smem:$0x3F99];
	s0 =	simm.s32 @p1 $0x1  }
0x15: {  	[smem:$0x3FB6] =	sst s0;
	s0 =	simm.s32 @!p2 $0x0  }
0x16: {  	s3 =	sld [smem:$0x3FDB];
	s0 =	simm.s32 @p2 $0x1  }
0x17: {  	s4 =	simm.s32 $0x1BF5;
	[smem:$0x3FB8] =	sst s0  }
0x18: {  	s0 =	sld [smem:$0x3F9B];
	_ =	swait.ge [sflag:s4], $0x0  }
0x19: {  	s7 =	sld [smem:$0x3F9C]  }
0x1a: {  	s8 =	sadd.s32 $0xFFFFE003, lr  }
0x1b: {  	s9 =	sadd.s32 $0xFFFFFEF7, lr;
	s5 =	simm.s32 $0xFFFFFFFF;
	p2 =	slt.u32 s8, $0xFFFFF086  }
0x1c: {  	p1 =	slt.u32 s9, $0xF7A;
	s5 =	simm.s32 @!p2 $0x0  }
0x1d: {  	s5 =	simm.s32 @p1 $0x1;
	p0 =	seq.s32 s7, s2  }
0x1e: {  	s7 =	smul.u32 @!p0 $0xF7A, s2;
	p2 =	seq.s32 @!p0 s5, $0x0  }
0x1f: {  	s9 =	smul.u32 $0xF7A, s1;
	s8 =	simm.s32 @!p0 $0x1BF5;
	p2 =	por !p2, p0  }
0x20: {  	[sflag:s8] =	ssyncset.s32 @!p0 $0xFFFFF086;
	s6 =	sadd.s32 @!p0 s3, s7;
	s7 =	simm.s32 @!p0 $0x108  }
0x21: {  	s3 =	sadd.s32 s3, s9;
	s6 =	sadd.s32 @!p0 $0x88, s6;
	s7 =	simm.s32 @p2 $0x1082  }
0x22: {  	[simem:s7], [sflag:s8] =	dma.local @!p0 [hbm:s6], $0xF7A  }
0x23: {  	s9 =	sor.u32 $0xD0000000, s2;
	s6 =	simm.s32 $0x108;
	_ =	swait.ge @!p0 [sflag:s8], $0x0  }
0x24: {  	s3 =	sadd.s32 $0x88, s3;
	s6 =	simm.s32 @!p1 $0x1082;
	[sflag:s4] =	ssyncset.s32 $0xFFFFF086  }
0x25: {  	[simem:s6], [sflag:s4] =	dma.local [hbm:s3], $0xF7A  }
0x26: {  	[smem:$0x3F9C] =	sst s1;
	(tag) =	ssettag s2;
	_ =	strace s9  }
0x27: {  	s1 =	sld [smem:$0x3FAC]  }
0x28: {  	s2 =	sld [smem:$0x3FAD]  }
0x29: {  	s4 =	sld [smem:$0x3FAF]  }
0x2a: {  	p0 =	seq.s32 s5, $0x0;
	s5 =	sld [smem:$0x3FB0]  }
0x2b: {  	s6 =	sld [smem:$0x3FB1]  }
0x2c: {  	s7 =	sld [smem:$0x3FB2]  }
0x2d: {  	s3 =	simm.s32 $0x108;
	s8 =	sld [smem:$0x3FB3]  }
0x2e: {  	s3 =	simm.s32 @!p0 $0x1082;
	s9 =	sld [smem:$0x3FB4]  }
0x2f: {  	lr =	sadd.s32 s0, s3;
	s0 =	sld [smem:$0x3FAB]  }
0x30: {  	s3 =	sld [smem:$0x3FAE]  }
0x31: {  	[smem:$0x3FB7] =	sst s10  }
0x32: {  	s10 =	sld [smem:$0x3FB5];
	_ =	sdelay $0x3  }
0x33: {  	p0 =	seq.s32 s10, $0x1;
	s10 =	sld [smem:$0x3FB7];
	_ =	sdelay $0x3  }
0x34: {  	[smem:$0x3FB7] =	sst s10  }
0x35: {  	s10 =	sld [smem:$0x3FB6];
	_ =	sdelay $0x3  }
0x36: {  	p1 =	seq.s32 s10, $0x1;
	s10 =	sld [smem:$0x3FB7];
	_ =	sdelay $0x3  }
0x37: {  	[smem:$0x3FB7] =	sst s10  }
0x38: {  	s10 =	sld [smem:$0x3FB8]  }
0x39: {  	_ = 	snop;
	(pc) =	sbr.ind lr, $3  }
0x3a: {  	_ = 	snop  }
0x3b: {  	_ = 	snop  }
0x3c: {  	p2 =	seq.s32 s10, $0x1;
	s10 =	sld [smem:$0x3FB7]  }
0x3d: {  	_ =	shalt  }
0x3e: {  	_ =	shalt  }
0x3f: {  	_ =	shalt  }
0x40: {  	_ =	shalt  }
0x41: {  	_ =	shalt  }
0x42: {  	_ =	shalt  }
0x43: {  	_ =	shalt  }
0x44: {  	_ =	shalt  }
0x45: {  	_ =	shalt  }
0x46: {  	_ =	shalt  }
0x47: {  	_ =	shalt  }
0x48: {  	_ =	shalt  }
0x49: {  	_ =	shalt  }
0x4a: {  	_ =	shalt  }
0x4b: {  	_ =	shalt  }
0x4c: {  	_ =	shalt  }
0x4d: {  	_ =	shalt  }
0x4e: {  	_ =	shalt  }
0x4f: {  	_ =	shalt  }
0x50: {  	_ =	shalt  }
0x51: {  	_ =	shalt  }
0x52: {  	_ =	shalt  }
0x53: {  	_ =	shalt  }
0x54: {  	_ =	shalt  }
0x55: {  	_ =	shalt  }
0x56: {  	_ =	shalt  }
0x57: {  	_ =	shalt  }
0x58: {  	_ =	shalt  }
0x59: {  	_ =	shalt  }
0x5a: {  	_ =	shalt  }
0x5b: {  	_ =	shalt  }
0x5c: {  	_ =	shalt  }
0x5d: {  	_ =	shalt  }
0x5e: {  	_ =	shalt  }
0x5f: {  	_ =	shalt  }
0x60: {  	_ =	shalt  }
0x61: {  	_ =	shalt  }
0x62: {  	_ =	shalt  }
0x63: {  	_ =	shalt  }
0x64: {  	_ =	shalt  }
0x65: {  	_ =	shalt  }
0x66: {  	_ =	shalt  }
0x67: {  	_ =	shalt  }
0x68: {  	_ =	shalt  }
0x69: {  	_ =	shalt  }
0x6a: {  	_ =	shalt  }
0x6b: {  	_ =	shalt  }
0x6c: {  	_ =	shalt  }
0x6d: {  	_ =	shalt  }
0x6e: {  	_ =	shalt  }
0x6f: {  	_ =	shalt  }
0x70: {  	_ =	shalt  }
0x71: {  	_ =	shalt  }
0x72: {  	_ =	shalt  }
0x73: {  	_ =	shalt  }
0x74: {  	_ =	shalt  }
0x75: {  	_ =	shalt  }
0x76: {  	_ =	shalt  }
0x77: {  	_ =	shalt  }
0x78: {  	_ =	shalt  }
0x79: {  	_ =	shalt  }
0x7a: {  	_ =	shalt  }
0x7b: {  	_ =	shalt  }
0x7c: {  	_ =	shalt  }
0x7d: {  	_ =	shalt  }
0x7e: {  	_ =	shalt  }
0x7f: {  	_ =	shalt  }
0x80: {  	_ =	shalt  }
0x81: {  	_ =	shalt  }
0x82: {  	_ =	shalt  }
0x83: {  	_ =	shalt  }
0x84: {  	_ =	shalt  }
0x85: {  	_ =	shalt  }
0x86: {  	_ =	shalt  }
0x87: {  	_ =	shalt  }
.Lfunc_end0:
.L_simem_size_0:
called_computation_lowered:
.L_overlay_start_0:
0x88: {  	s2 =	sld [smem:$0x3FD9]  }
0x89: {  	s3 =	sld [smem:$0x3FFE];
	_ =	sdelay $0x1  }
0x8a: {  	s1 =	srdreg.scid  }
0x8b: {  	s0 =	sand.u32 $0x1, s1  }
0x8c: {  	s17 =	sshll.u32 s0, $0xA;
	s2 =	sadd.s32 s3, s2  }
0x8d: {  	s2 =	sadd.s32 s2, s17  }
0x8e: {  	[smem:$0x3FC3] =	sst s2  }
0x8f: {  	_ = 	snop  }
0x90: {  	s2 =	sld [smem:$0x3FC8]  }
0x91: {  	s18 =	sld [smem:$0x3FD0];
	(tm) =	ssettm $0x1  }
0x92: {  	s4 =	sld [smem:$0x3FFB];
	_ =	sdelay $0x3  }
0x93: {  	_ =	strace s4  }
0x94: {  	s4 =	sld [smem:$0x3FFC];
	_ =	sdelay $0x3  }
0x95: {  	_ =	strace s4  }
0x96: {  	s4 =	sld [smem:$0x3FFD];
	_ =	sdelay $0x3  }
0x97: {  	_ =	strace s4  }
0x98: {  	_ =	strace $0x8FFFFFFF  }
0x99: {  	s19 =	sld [smem:$0x3FDB];
	_ =	sdelay $0x1  }
0x9a: {  	s5 =	simm.s32 $_scs_section_size  }
0x9b: {  	s6 =	simm.s32 $_size__tile_overlayer_lowered;
	s7 =	simm.s32 $_tile_overlayer_lowered  }
0x9c: {  	s22 =	simm.s32 $0x1BFF;
	s21 =	sshll.u32 s7, $0x1;
	s4 =	sadd.s32 s5, s19  }
0x9d: {  	s8 =	simm.s32 $0x0;
	s20 =	sshll.u32 s6, $0x1;
	s6 =	sadd.s32 s21, s4  }
0x9e: {  	[timem:s8], [sflag:s22] =	dma.local [hbm:s6], s20  }
0x9f: {  	_ =	swait.ge [sflag:s22], s20  }
0xa0: {  	s5 =	ssub.s32 $0x0, s20;
	[sflag:s22] =	ssyncset.done $0x0  }
0xa1: {  	[sflag:s22] =	ssyncadd.s32 s5;
	_ =	sdelay $0x1  }
0xa2: {  	s23 =	simm.s32 $0x1B8B  }
0xa3: {  	_ =	swait.ge [sflag:s23], $0x1  }
0xa4: {  	[sflag:s23] =	ssyncset.done $0x0  }
0xa5: {  	s25 =	simm.s32 $0x1B8E;
	s24 =	sld [smem:$0x3FFE];
	[sflag:s23] =	ssyncadd.s32 $0xFFFFFFFF  }
0xa6: {  	s26 =	simm.s32 $execute0_lowered;
	[smem:$0x3FD2] =	sst s25  }
0xa7: {  	s6 =	sshll.u32 s26, $0x1;
	_ =	strace $0x80000046;
	[dreg:$0x1] =	wrdreg $0xFFFFFFFF  }
0xa8: {  	s28 =	simm.s32 $_size_execute0_lowered;
	s4 =	sadd.s32 s4, s6;
	[dreg:$0x0] =	wrdreg $0x0  }
0xa9: {  	s6 =	sshll.u32 s28, $0x1;
	[dreg:$0x2] =	wrdreg s4  }
0xaa: {  	[dreg:$0x3] =	wrdreg s6  }
0xab: {  	[dreg:$0x4] =	wrdreg $0xC0  }
0xac: {  	_ =	task [dreg:s8], $0x5FFFF  }
0xad: {  	[dreg:$0x1] =	wrdreg $0xFFFFFFFF  }
0xae: {  	[dreg:$0x0] =	wrdreg $0x60  }
0xaf: {  	[dreg:$0x2] =	wrdreg s2  }
0xb0: {  	[dreg:$0x3] =	wrdreg s18  }
0xb1: {  	[dreg:$0x4] =	wrdreg s24  }
0xb2: {  	[dreg:$0x5] =	wrdreg $0x9  }
0xb3: {  	_ =	task.clear_ibuf [dreg:s8], $0x6FFFF;
	_ =	strace $0x90000046  }
0xb4: {  	s29 =	simm.s32 $0x9;
	_ =	strace $0x80000048  }
0xb5: {  	_ =	swait.ge [sflag:s29], $0x1  }
0xb6: {  	[sflag:s29] =	ssyncadd.s32 $0xFFFFFFFF  }
0xb7: {  	_ =	strace $0x90000048  }
0xb8: {  	_ =	sfence  }
0xb9: {  	s30 =	sld [smem:$0x0];
	_ =	sdelay $0x2  }
0xba: {  	s31 =	sshll.u32 s1, $0xD;
	s1 =	sshrl.u32 s1, $0x2  }
0xbb: {  	s3 =	sand.u32 $0x4000, s31;
	s1 =	sadd.s32 s1, s30  }
0xbc: {  	s0 =	sor.u32 s3, s0;
	s1 =	sshll.u32 s1, $0x11  }
0xbd: {  	s0 =	sor.u32 s1, s0  }
0xbe: {  	s0 =	sadd.s32 $0x8F2B, s0  }
0xbf: {  	[sflag:s0] =	ssyncadd.remote.s32 $0x1  }
0xc0: {  	_ =	sfence.sel $0xFFFF  }
0xc1: {  	[dreg:$0x0] =	wrdreg $0xFFFFFFFF;
	(pc) =	sbr.abs _section_cstart, $3  }
0xc2: {  	[dreg:$0x1] =	wrdreg $0xFFFFFFFF  }
0xc3: {  	_ =	task.clear_ibuf [dreg:s8], $0x2FFFF;
	_ =	strace $0x9FFFFFFF  }
0xc4: {  	(tm) =	ssettm $0x7FFFFFFF  }
0xc5: {  	_ =	shalt  }
tec
execute0_lowered:
.L_overlay_start_1:
0x0: {  	(tag) =	ssettag $0x1  }
0x1: {  	s1 =	srdreg.scid;
	s2 =	rddreg [dreg:$0x0]  }
0x2: {  	s0 =	stileid.u32;
	s3 =	rddreg [dreg:$0x1]  }
0x3: {  	s4 =	rddreg [dreg:$0x2];
	s6 =	simm.s32 $0x1;
	s1 =	sshll.u32 s1, $0x6  }
0x4: {  	s9 =	simm.s32 $0x1;
	s5 =	sshll.u32 s0, $0x7;
	s1 =	sand.u32 $0x40, s1  }
0x5: {  	s10 =	simm.s32 $0x3;
	s13 =	simm.s32 $0x0;
	s5 =	sor.u32 s5, s1  }
0x6: {  	s12 =	simm.s32 $0x0;
	s1 =	rddreg [dreg:$0x3];
	s8 =	ssub.s32 $0x1000, s5  }
.Ltmp0:
0x7: {  	_ =	strace $0x80000047;
	s7 =	sand.u32 $0x7C0, s8;
	(pc) =	sbr.rel .LBB2_1-.Ltmp0, $4  }
0x8: {  	[sflag:s6] =	ssyncpa.u1 $0x0;
	s11 =	smov.u32 s5;
	p0 =	sne.s32 s7, $0x0  }
0x9: {  	s8 =	sshrl.u32 s8, $0xB;
	s7 =	simm.s32 $0x2;
	s9 =	simm.s32 @!p0 $0x0  }
0xa: {  	[sflag:s7] =	ssyncpa.u1 $0x0;
	p0 =	por $0x0, $0x0;
	s8 =	sadd.s32 s9, s8  }
0xb: {  	vm0 =	vmmov $0xffff;
	[sflag:s10] =	ssyncpa.u1 $0x0;
	s10 =	simm.s32 $0x0;
	s9 =	sadd.s32 $0x1, s8  }
.LBB2_4:
0xc: {  	v2 =	vnsel vm1, $0x0, v2  }
0xd: {  	vm1 =	vgt.s32 v0, $0x0;
	v2 =	vmin.u32 v2, $0xFFF  }
0xe: {  	v0 =	vnsel vm1, $0x0, v0  }
0xf: {  	v0 =	vmin.u32 v0, $0xFFF  }
0x10: {  	[tilespmem:s15], [sflag:$0x1] =	stream.indirect_vreg.gather [hbm4b:s2+s10], $0x1, v1, vm0, $0x4038;
	[tilespmem:$0x100] =	vst v63  }
0x11: {  	(ifvalue) =	ssetifvalue $0x7FFFFFFF  }
0x12: {  	[tilespmem:s16], [sflag:$0x1] =	stream.indirect_vreg.gather [hbm4b:s2+s10], $0x1, v2, vm0, $0x4038;
	[tilespmem:$0x100] =	vst v63  }
0x13: {  	s29 =	sadd.s32 $0x10, s16;
	(ifvalue) =	ssetifvalue $0x7FFFFFFF  }
0x14: {  	[tilespmem:s29], [sflag:$0x1] =	stream.indirect_vreg.gather [hbm4b:s2+s10], $0x1, v0, vm0, $0x4038;
	[tilespmem:$0x100] =	vst v63  }
0x15: {  	_ =	swait.ge [sflag:s6], $0x40  }
0x16: {  	s30 =	sshrl.u32 s13, $0x3;
	[sflag:s6] =	ssyncset.done $0x0  }
0x17: {  	s31 =	sand.u32 $0x7, s13;
	s15 =	sadd.s32 s4, s30;
	[sflag:s6] =	ssyncadd.s32 $0xFFFFFFC0  }
0x18: {  	[hbm4b:s15+s31] =	stream.linear.scatter [tilespmem:s14], [sflag:$0x3], $0x40, $0x38;
	[tilespmem:$0x100] =	vst v63  }
.LBB2_5:
0x19: {  	s15 =	sadd.s32 $0x800, s11  }
0x1a: {  	p2 =	sgt.s32 s15, $0xFFF  }
0x1b: {  	s15 =	smov.u32 @p2 s5;
	p2 =	sne.s32 s12, s9  }
.Ltmp1:
0x1c: {  	p1 =	slt.u32 s12, $0x2;
	(pc) =	sbr.rel @!p2 .LBB2_6-.Ltmp1, $4  }
0x1d: {  	s14 =	simm.s32 @!p1 $0x3  }
0x1e: {  	s16 =	sadd.s32 $0x1, s12;
	_ =	swait.ge @!p1 [sflag:s14], $0x40  }
0x1f: {  	s13 =	smov.u32 s11;
	p0 =	por !p0, !p0;
	[sflag:s14] =	ssyncset.done @!p1 $0x0  }
0x20: {  	s12 =	smov.u32 s16;
	s11 =	smov.u32 s15;
	[sflag:s14] =	ssyncadd.s32 @!p1 $0xFFFFFFC0  }
.LBB2_1:
0x21: {  	p1 =	sge.u32 s12, s8  }
0x22: {  	s14 =	sxor.u32 @!p1 $0xFFFFFFFF, s12  }
0x23: {  	s31 =	sadd.s32 $0xFFFFFFFF, s12;
	s15 =	sshrl.u32 @!p1 s11, $0x3;
	s14 =	sshll.u32 @!p1 s14, $0x6  }
0x24: {  	s16 =	sand.u32 @!p1 $0x7, s11;
	s15 =	sadd.s32 @!p1 s3, s15;
	s14 =	sand.u32 @!p1 $0x40, s14  }
0x25: {  	[tilespmem:s14], [sflag:$0x2] =	stream.linear.gather @!p1 [hbm4b:s15+s16], $0x40, $0x38;
	[tilespmem:$0x100] =	vst v63  }
0x26: {  	p1 =	sge.u32 s31, s8  }
.Ltmp2:
0x27: {  	_ = 	snop;
	(pc) =	sbr.rel @p1 .LBB2_5-.Ltmp2, $1  }
0x28: {  	_ =	sdelay $0x3  }
0x29: {  	s14 =	simm.s32 $0x1  }
0x2a: {  	_ =	swait.ge [sflag:s7], $0x40;
	s14 =	simm.s32 @!p0 $0x0  }
0x2b: {  	[sflag:s7] =	ssyncset.done $0x0;
	s14 =	sshll.u32 s14, $0x6  }
0x2c: {  	[sflag:s7] =	ssyncadd.s32 $0xFFFFFFC0;
	(ifvalue) =	ssetifvalue $0x7FFFFFFF;
	v0 =	vld.msk [tilespmem:s14+$0x0 ss:$0x1], $0xffff;
	_ =	sdelay $0x4  }
0x2d: {  	s15 =	sadd.s32 $0x10, s14;
	vm1 =	vgt.s32 v0, $0x0  }
0x2e: {  	v2 =	vld.msk [tilespmem:s15+$0x0 ss:$0x1], $0xffff;
	v1 =	vnsel vm1, $0x0, v0  }
0x2f: {  	v1 =	vmin.u32 v1, $0xFFF;
	_ =	sdelay $0x1  }
0x30: {  	s16 =	sshll.u32 s12, $0x6;
	s18 =	simm.s32 $0x20  }
0x31: {  	s16 =	sand.u32 $0x40, s16;
	s17 =	sadd.s32 $0x10, s15;
	s15 =	sor.u32 $0x80, s14  }
0x32: {  	s14 =	sor.u32 $0x80, s16;
	s16 =	sadd.s32 $0x10, s15;
	v0 =	vld.msk [tilespmem:s17+$0x0 ss:$0x1], $0xffff;
	vm1 =	vgt.s32 v2, $0x0;
	(ifvalue) =	ssetifvalue $0x7FFFFFFF  }
.LBB2_3:
0x33: {  	[tilespmem:s15], [sflag:$0x1] =	stream.indirect_vreg.gather [hbm4b:s2+s10], $0x1, v1, vm0, $0x4038;
	[tilespmem:$0x100] =	vst v63  }
0x34: {  	s18 =	sadd.s32 $0x10, s18  }
0x35: {  	v2 =	vnsel vm1, $0x0, v2;
	p1 =	slt.u32 s18, $0x30  }
.Ltmp3:
0x36: {  	s15 =	smov.u32 s16;
	v1 =	vmin.u32 v2, $0xFFF;
	(pc) =	sbr.rel @p1 .LBB2_3-.Ltmp3, $3  }
0x37: {  	_ =	sdelay $0x1  }
0x38: {  	s17 =	sadd.s32 $0x10, s17  }
0x39: {  	vm1 =	vgt.s32 v0, $0x0;
	s16 =	sadd.s32 $0x10, s16;
	v2 =	vmov v0;
	(ifvalue) =	ssetifvalue $0x7FFFFFFF;
	v0 =	vld.msk [tilespmem:s17+$0x0 ss:$0x1], $0xffff  }
.Ltmp4:
0x3a: {  	_ = 	snop;
	(pc) =	sbr.rel .LBB2_4-.Ltmp4, $1  }
0x3b: {  	_ =	sdelay $0x3  }
.LBB2_6:
0x3c: {  	_ =	sfence.sel $0x180000  }
0x3d: {  	s2 =	simm.s32 $0x2;
	[bflag:$0x0] =	sbarrier.arrive $0xFFFF  }
0x3e: {  	s30 =	simm.s32 $0x3;
	[sflag:s2] =	ssyncpa.u1 $0x1  }
0x3f: {  	s31 =	simm.s32 $0x1;
	[sflag:s30] =	ssyncpa.u1 $0x1  }
0x40: {  	[sflag:s31] =	ssyncpa.u1 $0x1  }
0x41: {  	p0 =	sne.s32 s0, $0x0;
	_ =	strace $0x90000047  }
0x42: {  	s0 =	sadd.s32 @!p0 $0x100000, s1;
	[bflag:$0x2] =	sbarrier.arrive $0xFFFF  }
0x43: {  	[sflag:s0] =	ssyncadd.tile.s32 @!p0 $0x1;
	_ =	shalt  }
.Lfunc_end2:
_tile_overlayer_lowered:
.L_overlay_start_2:
0x44: {  	(tag) =	ssettag $0x2  }
0x45: {  	s0 =	rddreg [dreg:$0x0];
	s2 =	stileid.u32  }
0x46: {  	s1 =	rddreg [dreg:$0x1];
	p0 =	sne.s32 s2, $0x0  }
0x47: {  	s3 =	rddreg [dreg:$0x2];
	[bflag:$0x3] =	sbarrier.arrive $0xFFFF;
	s2 =	simm.s32 @!p0 $0x1C01  }
0x48: {  	[timem:s3], [sflag:s2] =	dma.local @!p0 [hbm:s0], s1  }
0x49: {  	s0 =	simm.s32 @!p0 $0x1  }
0x4a: {  	_ =	swait.ge @!p0 [sflag:s0], s1  }
0x4b: {  	s1 =	ssub.s32 @!p0 $0x0, s1;
	[sflag:s0] =	ssyncset.done @!p0 $0x0  }
0x4c: {  	[sflag:s0] =	ssyncadd.s32 @!p0 s1  }
0x4d: {  	[bflag:$0x3] =	sbarrier.arrive $0xFFFF  }
0x4e: {  	_ =	shalt  }

</sc_bundles>
